<compile_context>
chip_gen: v7x
topology: tpu7x:2x2x1
jax: 0.10.2.dev20260603
libtpu: 0.0.44.dev20260713+nightly
codegen_flags: <defaults>
</compile_context>

<pallas_src>
import functools

import jax
import jax.numpy as jnp
from jax import lax
from jax.experimental import pallas as pl
from jax.experimental.pallas import tpu as pltpu
from jax.experimental.pallas import tpu_sc as plsc

DIM = 128
EPS = 1e-12
NC = 2
NS = 16
NW = NC * NS
NREG = DIM // 16
CH0 = 104


def _splat_sum16(x):
    lane = lax.iota(jnp.int32, 16)
    for k in range(4):
        x = x + x.at[lane ^ (1 << k)].get(mode="promise_in_bounds")
    return x


def _rsqrt16(v):
    i = lax.bitcast_convert_type(v, jnp.int32)
    y = lax.bitcast_convert_type(jnp.int32(0x5F3759DF) - (i >> 1), jnp.float32)
    h = 0.5 * v
    for _ in range(2):
        y = y * (1.5 - h * y * y)
    return y


def _tree_sum(vs):
    while len(vs) > 1:
        vs = [vs[i] + vs[i + 1] for i in range(0, len(vs), 2)]
    return vs[0]


@functools.lru_cache(maxsize=None)
def _make_sc_kernel(B, L):
    rows_per_w = B // NW
    ch1 = L - CH0
    mesh = plsc.VectorSubcoreMesh(core_axis_name="c", subcore_axis_name="s")

    @functools.partial(
        pl.kernel,
        mesh=mesh,
        out_type=jax.ShapeDtypeStruct((B * L, DIM), jnp.float32),
        scratch_types=[
            pltpu.VMEM((rows_per_w * L,), jnp.int32),
            pltpu.VMEM((L, DIM), jnp.float32),
            pltpu.VMEM((L, DIM), jnp.float32),
            pltpu.VMEM((L, DIM), jnp.float32),
            pltpu.VMEM((L, DIM), jnp.float32),
            pltpu.VMEM((rows_per_w,), jnp.int32),
            pltpu.VMEM((rows_per_w, DIM), jnp.float32),
            pltpu.VMEM((DIM,), jnp.float32),
            pltpu.VMEM((DIM,), jnp.float32),
            pltpu.SemaphoreType.DMA,
            pltpu.SemaphoreType.DMA,
            pltpu.SemaphoreType.DMA,
            pltpu.SemaphoreType.DMA,
        ],
    )
    def k(ids, spk_ids, char_tab, spk_tab, gamma, beta, out,
          ids_v, gbA, gbB, obA, obB, sidx_v, srows_v, g_v, b_v,
          gsA, gsB, ssA, ssB):
        wid = lax.axis_index("s") * NC + lax.axis_index("c")
        base_b = wid * rows_per_w

        pltpu.sync_copy(gamma, g_v)
        pltpu.sync_copy(beta, b_v)
        pltpu.sync_copy(spk_ids.at[pl.ds(base_b, rows_per_w)], sidx_v)
        pltpu.sync_copy(ids.at[pl.ds(base_b * L, rows_per_w * L)], ids_v)
        pltpu.async_copy(spk_tab.at[sidx_v], srows_v, gsA).wait()

        gk = [g_v[pl.ds(16 * j, 16)] for j in range(NREG)]
        bk = [b_v[pl.ds(16 * j, 16)] for j in range(NREG)]

        def gather_descs(r, gb):
            return (
                (char_tab.at[ids_v.at[pl.ds(r * L, CH0)]], gb.at[pl.ds(0, CH0)]),
                (char_tab.at[ids_v.at[pl.ds(r * L + CH0, ch1)]], gb.at[pl.ds(CH0, ch1)]),
            )

        def issue_gather(r, gb, sem):
            for src, dst in gather_descs(r, gb):
                pltpu.async_copy(src, dst, sem)

        def drain_gather(r, gb, sem):
            for src, dst in gather_descs(r, gb):
                pltpu.make_async_copy(src, dst, sem).wait()

        def normalize_row(r, gb, ob):
            sk = [srows_v[r, pl.ds(16 * j, 16)] for j in range(NREG)]

            @plsc.parallel_loop(0, L, 1, unroll=4)
            def tok_body(t):
                v = [gb[t, pl.ds(16 * j, 16)] + sk[j] for j in range(NREG)]
                acc = _tree_sum(v)
                acc2 = _tree_sum([x * x for x in v])
                mean_v = _splat_sum16(acc) * (1.0 / DIM)
                var_v = _splat_sum16(acc2) * (1.0 / DIM) - mean_v * mean_v
                r_v = _rsqrt16(var_v + EPS)
                for j in range(NREG):
                    ob[t, pl.ds(16 * j, 16)] = (v[j] - mean_v) * (r_v * gk[j]) + bk[j]

        issue_gather(0, gbA, gsA)
        issue_gather(1, gbB, gsB)

        def grp(g, carry):
            for p, gb, ob, gs, ss in ((0, gbA, obA, gsA, ssA),
                                      (1, gbB, obB, gsB, ssB)):
                r = 2 * g + p
                drain_gather(r, gb, gs)

                @pl.when(r >= 2)
                def _():
                    pltpu.make_async_copy(ob, out.at[pl.ds(0, L)], ss).wait()

                normalize_row(r, gb, ob)
                pltpu.async_copy(ob, out.at[pl.ds((base_b + r) * L, L)], ss)

                @pl.when(r + 2 < rows_per_w)
                def _():
                    issue_gather(r + 2, gb, gs)
            return carry

        lax.fori_loop(0, rows_per_w // 2, grp, 0)
        pltpu.make_async_copy(obA, out.at[pl.ds(0, L)], ssA).wait()
        pltpu.make_async_copy(obB, out.at[pl.ds(0, L)], ssB).wait()

    return k


def kernel(input_ids, speaker_ids, char_table, spk_table, ln_gamma, ln_beta):
    B, L = input_ids.shape
    k = _make_sc_kernel(B, L)
    out = k(input_ids.reshape(B * L), speaker_ids, char_table, spk_table,
            ln_gamma, ln_beta)
    return out.reshape(B, L, DIM)

# --- scband reference (transcript-rebuilt; emitter-appended) ---
"""Pipeline reference for scband-tftacotron-embeddings-22823456211004 (READ-ONLY COPY).

The authoritative reference and input builder live on the scoring server;
editing this copy changes nothing except your own understanding.
"""

import jax, jax.numpy as jnp
import numpy as np

VOCAB = 1000
N_SPEAKERS = 100
DIM = 128
B = 1024
L = 200
EPS = 1e-12


def setup_inputs(seed: int = 0) -> dict:
    key = jax.random.key(seed)
    k1, k2, k3, k4 = jax.random.split(key, 4)
    input_ids = jax.random.randint(k1, (B, L), 0, VOCAB, dtype=jnp.int32)
    speaker_ids = jax.random.randint(k2, (B,), 0, N_SPEAKERS, dtype=jnp.int32)
    # learned parameters (truncated-normal-like init approximated with scaled normal)
    char_table = jax.random.normal(k3, (VOCAB, DIM), dtype=jnp.float32) * 0.02
    spk_table = jax.random.normal(k4, (N_SPEAKERS, DIM), dtype=jnp.float32) * 0.02
    ln_gamma = jnp.ones((DIM,), dtype=jnp.float32)
    ln_beta = jnp.zeros((DIM,), dtype=jnp.float32)
    return {
        "input_ids": input_ids,
        "speaker_ids": speaker_ids,
        "char_table": char_table,
        "spk_table": spk_table,
        "ln_gamma": ln_gamma,
        "ln_beta": ln_beta,
    }


def reference(input_ids, speaker_ids, char_table, spk_table, ln_gamma, ln_beta):
    # character embedding gather: [B, L, D]
    inputs_embeds = jnp.take(char_table, input_ids, axis=0)
    # speaker embedding gather: [B, D] -> [B, 1, D]
    speaker_embeddings = jnp.take(spk_table, speaker_ids, axis=0)
    extended_speaker_embeddings = speaker_embeddings[:, None, :]
    embeddings = inputs_embeds + extended_speaker_embeddings
    # LayerNorm over last axis (keras LayerNormalization semantics)
    mean = jnp.mean(embeddings, axis=-1, keepdims=True)
    var = jnp.mean(jnp.square(embeddings - mean), axis=-1, keepdims=True)
    normed = (embeddings - mean) * jax.lax.rsqrt(var + EPS)
    out = normed * ln_gamma + ln_beta
    # dropout is a no-op at inference (training=False)
    return out

if __name__ == "__main__":
    import jax
    _d = setup_inputs()
    print(jax.jit(kernel)(*tuple(_d.values())))

</pallas_src>

<mosaic_0001>
#map = affine_map<(d0, d1) -> (0)>
#map1 = affine_map<(d0, d1) -> (0, 0)>
module attributes {stable_mosaic.version = 14 : i64} {
  func.func @k(%arg0: i32, %arg1: i32, %arg2: memref<204800xi32, #tpu.memory_space<hbm>>, %arg3: memref<1024xi32, #tpu.memory_space<hbm>>, %arg4: memref<1000x128xf32, #tpu.memory_space<hbm>>, %arg5: memref<100x128xf32, #tpu.memory_space<hbm>>, %arg6: memref<128xf32, #tpu.memory_space<hbm>>, %arg7: memref<128xf32, #tpu.memory_space<hbm>>, %arg8: memref<204800x128xf32, #tpu.memory_space<hbm>>, %arg9: memref<6400xi32, #tpu.memory_space<vmem>>, %arg10: memref<200x128xf32, #tpu.memory_space<vmem>>, %arg11: memref<200x128xf32, #tpu.memory_space<vmem>>, %arg12: memref<200x128xf32, #tpu.memory_space<vmem>>, %arg13: memref<200x128xf32, #tpu.memory_space<vmem>>, %arg14: memref<32xi32, #tpu.memory_space<vmem>>, %arg15: memref<32x128xf32, #tpu.memory_space<vmem>>, %arg16: memref<128xf32, #tpu.memory_space<vmem>>, %arg17: memref<128xf32, #tpu.memory_space<vmem>>, %arg18: memref<!tpu.dma_semaphore, #tpu.memory_space<semaphore_mem>>, %arg19: memref<!tpu.dma_semaphore, #tpu.memory_space<semaphore_mem>>, %arg20: memref<!tpu.dma_semaphore, #tpu.memory_space<semaphore_mem>>, %arg21: memref<!tpu.dma_semaphore, #tpu.memory_space<semaphore_mem>>) attributes {dimension_semantics = [#tpu.dimension_semantics<core_parallel>, #tpu.dimension_semantics<subcore_parallel>], iteration_bounds = array<i64: 2, 16>, scalar_prefetch = 0 : i64, scratch_operands = 13 : i64, tpu.core_type = #tpu.core_type<sc_vector_subcore>, window_params = [{transform_indices = #map}, {transform_indices = #map}, {transform_indices = #map1}, {transform_indices = #map1}, {transform_indices = #map}, {transform_indices = #map}, {transform_indices = #map1}]} {
    %mul3A = arith.constant 2 : i32
    %mul3A_0 = arith.muli %arg1, %mul3A : i32
    %add3A = arith.addi %mul3A_0, %arg0 : i32
    %mul3A_1 = arith.constant 32 : i32
    %mul3A_2 = arith.muli %add3A, %mul3A_1 : i32
    "tpu.region"() ({
      %run_scoped3A = tpu.sem_alloc : memref<!tpu.dma_semaphore, #tpu.memory_space<semaphore_mem>>
      tpu.enqueue_dma source(%arg6 : memref<128xf32, #tpu.memory_space<hbm>>) target(%arg16 : memref<128xf32, #tpu.memory_space<vmem>>) target_semaphore(%run_scoped3A : memref<!tpu.dma_semaphore, #tpu.memory_space<semaphore_mem>>)
      tpu.wait_dma2 semaphore(%run_scoped3A : memref<!tpu.dma_semaphore, #tpu.memory_space<semaphore_mem>>) src(%arg6 : memref<128xf32, #tpu.memory_space<hbm>>) dst(%arg16 : memref<128xf32, #tpu.memory_space<vmem>>)
      tpu.yield
    }) : () -> ()
    "tpu.region"() ({
      %run_scoped3A = tpu.sem_alloc : memref<!tpu.dma_semaphore, #tpu.memory_space<semaphore_mem>>
      tpu.enqueue_dma source(%arg7 : memref<128xf32, #tpu.memory_space<hbm>>) target(%arg17 : memref<128xf32, #tpu.memory_space<vmem>>) target_semaphore(%run_scoped3A : memref<!tpu.dma_semaphore, #tpu.memory_space<semaphore_mem>>)
      tpu.wait_dma2 semaphore(%run_scoped3A : memref<!tpu.dma_semaphore, #tpu.memory_space<semaphore_mem>>) src(%arg7 : memref<128xf32, #tpu.memory_space<hbm>>) dst(%arg17 : memref<128xf32, #tpu.memory_space<vmem>>)
      tpu.yield
    }) : () -> ()
    "tpu.region"() ({
      %run_scoped3A = tpu.sem_alloc : memref<!tpu.dma_semaphore, #tpu.memory_space<semaphore_mem>>
      %dma_start3A_105 = tpu.memref_slice %arg3[%mul3A_2] : memref<1024xi32, #tpu.memory_space<hbm>> -> memref<32xi32, #tpu.memory_space<hbm>>
      %dma_start3A_106 = tpu.memref_slice %arg3[%mul3A_2] : memref<1024xi32, #tpu.memory_space<hbm>> -> memref<32xi32, #tpu.memory_space<hbm>>
      tpu.enqueue_dma source(%dma_start3A_106 : memref<32xi32, #tpu.memory_space<hbm>>) target(%arg14 : memref<32xi32, #tpu.memory_space<vmem>>) target_semaphore(%run_scoped3A : memref<!tpu.dma_semaphore, #tpu.memory_space<semaphore_mem>>)
      %dma_wait3A_107 = tpu.memref_slice %arg3[%mul3A_2] : memref<1024xi32, #tpu.memory_space<hbm>> -> memref<32xi32, #tpu.memory_space<hbm>>
      %dma_wait3A_108 = tpu.memref_slice %arg3[%mul3A_2] : memref<1024xi32, #tpu.memory_space<hbm>> -> memref<32xi32, #tpu.memory_space<hbm>>
      tpu.wait_dma2 semaphore(%run_scoped3A : memref<!tpu.dma_semaphore, #tpu.memory_space<semaphore_mem>>) src(%dma_wait3A_108 : memref<32xi32, #tpu.memory_space<hbm>>) dst(%arg14 : memref<32xi32, #tpu.memory_space<vmem>>)
      tpu.yield
    }) : () -> ()
    %mul3A_3 = arith.constant 200 : i32
    %mul3A_4 = arith.muli %mul3A_2, %mul3A_3 : i32
    "tpu.region"() ({
      %run_scoped3A = tpu.sem_alloc : memref<!tpu.dma_semaphore, #tpu.memory_space<semaphore_mem>>
      %dma_start3A_105 = tpu.memref_slice %arg2[%mul3A_4] : memref<204800xi32, #tpu.memory_space<hbm>> -> memref<6400xi32, #tpu.memory_space<hbm>>
      %dma_start3A_106 = tpu.memref_slice %arg2[%mul3A_4] : memref<204800xi32, #tpu.memory_space<hbm>> -> memref<6400xi32, #tpu.memory_space<hbm>>
      tpu.enqueue_dma source(%dma_start3A_106 : memref<6400xi32, #tpu.memory_space<hbm>>) target(%arg9 : memref<6400xi32, #tpu.memory_space<vmem>>) target_semaphore(%run_scoped3A : memref<!tpu.dma_semaphore, #tpu.memory_space<semaphore_mem>>)
      %dma_wait3A_107 = tpu.memref_slice %arg2[%mul3A_4] : memref<204800xi32, #tpu.memory_space<hbm>> -> memref<6400xi32, #tpu.memory_space<hbm>>
      %dma_wait3A_108 = tpu.memref_slice %arg2[%mul3A_4] : memref<204800xi32, #tpu.memory_space<hbm>> -> memref<6400xi32, #tpu.memory_space<hbm>>
      tpu.wait_dma2 semaphore(%run_scoped3A : memref<!tpu.dma_semaphore, #tpu.memory_space<semaphore_mem>>) src(%dma_wait3A_108 : memref<6400xi32, #tpu.memory_space<hbm>>) dst(%arg9 : memref<6400xi32, #tpu.memory_space<vmem>>)
      tpu.yield
    }) : () -> ()
    %dma_start3A = arith.constant 0 : i32
    %dma_start3A_5 = arith.constant 0 : i32
    %dma_start3A_6 = tpu.memref_slice %arg5[%dma_start3A, %dma_start3A_5] : memref<100x128xf32, #tpu.memory_space<hbm>> -> memref<100x128xf32, #tpu.memory_space<hbm>>
    tpu.enqueue_indirect_dma source(%dma_start3A_6 : memref<100x128xf32, #tpu.memory_space<hbm>>) target(%arg15 : memref<32x128xf32, #tpu.memory_space<vmem>>) offsets(%arg14 : memref<32xi32, #tpu.memory_space<vmem>>) semaphore(%arg18 : memref<!tpu.dma_semaphore, #tpu.memory_space<semaphore_mem>>)
    %dma_wait3A = arith.constant 0 : i32
    %dma_wait3A_7 = arith.constant 0 : i32
    %dma_wait3A_8 = tpu.memref_slice %arg5[%dma_wait3A, %dma_wait3A_7] : memref<100x128xf32, #tpu.memory_space<hbm>> -> memref<100x128xf32, #tpu.memory_space<hbm>>
    tpu.wait_indirect_dma semaphore(%arg18 : memref<!tpu.dma_semaphore, #tpu.memory_space<semaphore_mem>>) src(%dma_wait3A_8 : memref<100x128xf32, #tpu.memory_space<hbm>>) dst(%arg15 : memref<32x128xf32, #tpu.memory_space<vmem>>)
    %get3A = arith.constant 0 : index
    %get3A_9 = tpu.vector_load %arg16[%get3A] {strides = array<i32>} : memref<128xf32, #tpu.memory_space<vmem>>, vector<16xf32>,
    %get3A_10 = vector.shape_cast %get3A_9 : vector<16xf32> to vector<16xf32>
    %get3A_11 = arith.constant 16 : index
    %get3A_12 = tpu.vector_load %arg16[%get3A_11] {strides = array<i32>} : memref<128xf32, #tpu.memory_space<vmem>>, vector<16xf32>,
    %get3A_13 = vector.shape_cast %get3A_12 : vector<16xf32> to vector<16xf32>
    %get3A_14 = arith.constant 32 : index
    %get3A_15 = tpu.vector_load %arg16[%get3A_14] {strides = array<i32>} : memref<128xf32, #tpu.memory_space<vmem>>, vector<16xf32>,
    %get3A_16 = vector.shape_cast %get3A_15 : vector<16xf32> to vector<16xf32>
    %get3A_17 = arith.constant 48 : index
    %get3A_18 = tpu.vector_load %arg16[%get3A_17] {strides = array<i32>} : memref<128xf32, #tpu.memory_space<vmem>>, vector<16xf32>,
    %get3A_19 = vector.shape_cast %get3A_18 : vector<16xf32> to vector<16xf32>
    %get3A_20 = arith.constant 64 : index
    %get3A_21 = tpu.vector_load %arg16[%get3A_20] {strides = array<i32>} : memref<128xf32, #tpu.memory_space<vmem>>, vector<16xf32>,
    %get3A_22 = vector.shape_cast %get3A_21 : vector<16xf32> to vector<16xf32>
    %get3A_23 = arith.constant 80 : index
    %get3A_24 = tpu.vector_load %arg16[%get3A_23] {strides = array<i32>} : memref<128xf32, #tpu.memory_space<vmem>>, vector<16xf32>,
    %get3A_25 = vector.shape_cast %get3A_24 : vector<16xf32> to vector<16xf32>
    %get3A_26 = arith.constant 96 : index
    %get3A_27 = tpu.vector_load %arg16[%get3A_26] {strides = array<i32>} : memref<128xf32, #tpu.memory_space<vmem>>, vector<16xf32>,
    %get3A_28 = vector.shape_cast %get3A_27 : vector<16xf32> to vector<16xf32>
    %get3A_29 = arith.constant 112 : index
    %get3A_30 = tpu.vector_load %arg16[%get3A_29] {strides = array<i32>} : memref<128xf32, #tpu.memory_space<vmem>>, vector<16xf32>,
    %get3A_31 = vector.shape_cast %get3A_30 : vector<16xf32> to vector<16xf32>
    %get3A_32 = arith.constant 0 : index
    %get3A_33 = tpu.vector_load %arg17[%get3A_32] {strides = array<i32>} : memref<128xf32, #tpu.memory_space<vmem>>, vector<16xf32>,
    %get3A_34 = vector.shape_cast %get3A_33 : vector<16xf32> to vector<16xf32>
    %get3A_35 = arith.constant 16 : index
    %get3A_36 = tpu.vector_load %arg17[%get3A_35] {strides = array<i32>} : memref<128xf32, #tpu.memory_space<vmem>>, vector<16xf32>,
    %get3A_37 = vector.shape_cast %get3A_36 : vector<16xf32> to vector<16xf32>
    %get3A_38 = arith.constant 32 : index
    %get3A_39 = tpu.vector_load %arg17[%get3A_38] {strides = array<i32>} : memref<128xf32, #tpu.memory_space<vmem>>, vector<16xf32>,
    %get3A_40 = vector.shape_cast %get3A_39 : vector<16xf32> to vector<16xf32>
    %get3A_41 = arith.constant 48 : index
    %get3A_42 = tpu.vector_load %arg17[%get3A_41] {strides = array<i32>} : memref<128xf32, #tpu.memory_space<vmem>>, vector<16xf32>,
    %get3A_43 = vector.shape_cast %get3A_42 : vector<16xf32> to vector<16xf32>
    %get3A_44 = arith.constant 64 : index
    %get3A_45 = tpu.vector_load %arg17[%get3A_44] {strides = array<i32>} : memref<128xf32, #tpu.memory_space<vmem>>, vector<16xf32>,
    %get3A_46 = vector.shape_cast %get3A_45 : vector<16xf32> to vector<16xf32>
    %get3A_47 = arith.constant 80 : index
    %get3A_48 = tpu.vector_load %arg17[%get3A_47] {strides = array<i32>} : memref<128xf32, #tpu.memory_space<vmem>>, vector<16xf32>,
    %get3A_49 = vector.shape_cast %get3A_48 : vector<16xf32> to vector<16xf32>
    %get3A_50 = arith.constant 96 : index
    %get3A_51 = tpu.vector_load %arg17[%get3A_50] {strides = array<i32>} : memref<128xf32, #tpu.memory_space<vmem>>, vector<16xf32>,
    %get3A_52 = vector.shape_cast %get3A_51 : vector<16xf32> to vector<16xf32>
    %get3A_53 = arith.constant 112 : index
    %get3A_54 = tpu.vector_load %arg17[%get3A_53] {strides = array<i32>} : memref<128xf32, #tpu.memory_space<vmem>>, vector<16xf32>,
    %get3A_55 = vector.shape_cast %get3A_54 : vector<16xf32> to vector<16xf32>
    %dma_start3A_56 = arith.constant 0 : i32
    %dma_start3A_57 = arith.constant 0 : i32
    %dma_start3A_58 = tpu.memref_slice %arg10[%dma_start3A_56, %dma_start3A_57] : memref<200x128xf32, #tpu.memory_space<vmem>> -> memref<104x128xf32, #tpu.memory_space<vmem>>
    %dma_start3A_59 = arith.constant 0 : i32
    %dma_start3A_60 = tpu.memref_slice %arg9[%dma_start3A_59] : memref<6400xi32, #tpu.memory_space<vmem>> -> memref<104xi32, #tpu.memory_space<vmem>>
    %dma_start3A_61 = arith.constant 0 : i32
    %dma_start3A_62 = arith.constant 0 : i32
    %dma_start3A_63 = tpu.memref_slice %arg4[%dma_start3A_61, %dma_start3A_62] : memref<1000x128xf32, #tpu.memory_space<hbm>> -> memref<1000x128xf32, #tpu.memory_space<hbm>>
    tpu.enqueue_indirect_dma source(%dma_start3A_63 : memref<1000x128xf32, #tpu.memory_space<hbm>>) target(%dma_start3A_58 : memref<104x128xf32, #tpu.memory_space<vmem>>) offsets(%dma_start3A_60 : memref<104xi32, #tpu.memory_space<vmem>>) semaphore(%arg18 : memref<!tpu.dma_semaphore, #tpu.memory_space<semaphore_mem>>)
    %dma_start3A_64 = arith.constant 104 : i32
    %dma_start3A_65 = arith.constant 0 : i32
    %dma_start3A_66 = tpu.memref_slice %arg10[%dma_start3A_64, %dma_start3A_65] : memref<200x128xf32, #tpu.memory_space<vmem>> -> memref<96x128xf32, #tpu.memory_space<vmem>>
    %dma_start3A_67 = arith.constant 104 : i32
    %dma_start3A_68 = tpu.memref_slice %arg9[%dma_start3A_67] : memref<6400xi32, #tpu.memory_space<vmem>> -> memref<96xi32, #tpu.memory_space<vmem>>
    %dma_start3A_69 = arith.constant 0 : i32
    %dma_start3A_70 = arith.constant 0 : i32
    %dma_start3A_71 = tpu.memref_slice %arg4[%dma_start3A_69, %dma_start3A_70] : memref<1000x128xf32, #tpu.memory_space<hbm>> -> memref<1000x128xf32, #tpu.memory_space<hbm>>
    tpu.enqueue_indirect_dma source(%dma_start3A_71 : memref<1000x128xf32, #tpu.memory_space<hbm>>) target(%dma_start3A_66 : memref<96x128xf32, #tpu.memory_space<vmem>>) offsets(%dma_start3A_68 : memref<96xi32, #tpu.memory_space<vmem>>) semaphore(%arg18 : memref<!tpu.dma_semaphore, #tpu.memory_space<semaphore_mem>>)
    %dma_start3A_72 = arith.constant 0 : i32
    %dma_start3A_73 = arith.constant 0 : i32
    %dma_start3A_74 = tpu.memref_slice %arg11[%dma_start3A_72, %dma_start3A_73] : memref<200x128xf32, #tpu.memory_space<vmem>> -> memref<104x128xf32, #tpu.memory_space<vmem>>
    %dma_start3A_75 = arith.constant 200 : i32
    %dma_start3A_76 = tpu.memref_slice %arg9[%dma_start3A_75] : memref<6400xi32, #tpu.memory_space<vmem>> -> memref<104xi32, #tpu.memory_space<vmem>>
    %dma_start3A_77 = arith.constant 0 : i32
    %dma_start3A_78 = arith.constant 0 : i32
    %dma_start3A_79 = tpu.memref_slice %arg4[%dma_start3A_77, %dma_start3A_78] : memref<1000x128xf32, #tpu.memory_space<hbm>> -> memref<1000x128xf32, #tpu.memory_space<hbm>>
    tpu.enqueue_indirect_dma source(%dma_start3A_79 : memref<1000x128xf32, #tpu.memory_space<hbm>>) target(%dma_start3A_74 : memref<104x128xf32, #tpu.memory_space<vmem>>) offsets(%dma_start3A_76 : memref<104xi32, #tpu.memory_space<vmem>>) semaphore(%arg19 : memref<!tpu.dma_semaphore, #tpu.memory_space<semaphore_mem>>)
    %dma_start3A_80 = arith.constant 104 : i32
    %dma_start3A_81 = arith.constant 0 : i32
    %dma_start3A_82 = tpu.memref_slice %arg11[%dma_start3A_80, %dma_start3A_81] : memref<200x128xf32, #tpu.memory_space<vmem>> -> memref<96x128xf32, #tpu.memory_space<vmem>>
    %dma_start3A_83 = arith.constant 304 : i32
    %dma_start3A_84 = tpu.memref_slice %arg9[%dma_start3A_83] : memref<6400xi32, #tpu.memory_space<vmem>> -> memref<96xi32, #tpu.memory_space<vmem>>
    %dma_start3A_85 = arith.constant 0 : i32
    %dma_start3A_86 = arith.constant 0 : i32
    %dma_start3A_87 = tpu.memref_slice %arg4[%dma_start3A_85, %dma_start3A_86] : memref<1000x128xf32, #tpu.memory_space<hbm>> -> memref<1000x128xf32, #tpu.memory_space<hbm>>
    tpu.enqueue_indirect_dma source(%dma_start3A_87 : memref<1000x128xf32, #tpu.memory_space<hbm>>) target(%dma_start3A_82 : memref<96x128xf32, #tpu.memory_space<vmem>>) offsets(%dma_start3A_84 : memref<96xi32, #tpu.memory_space<vmem>>) semaphore(%arg19 : memref<!tpu.dma_semaphore, #tpu.memory_space<semaphore_mem>>)
    %scan3A = arith.constant 0 : i32
    %scan3A_88 = arith.constant 0 : i32
    %scan3A_89 = arith.constant 16 : i32
    %scan3A_90 = arith.addi %scan3A_88, %scan3A_89 : i32
    %scan3A_91 = arith.constant 1 : i32
    scf.for %scan3A_105 = %scan3A_88 to %scan3A_90 step %scan3A_91  : i32 {
      %mul3A_106 = arith.constant 2 : i32
      %mul3A_107 = arith.muli %mul3A_106, %scan3A_105 : i32
      %add3A_108 = arith.constant 0 : i32
      %add3A_109 = arith.addi %mul3A_107, %add3A_108 : i32
      %mul3A_110 = arith.constant 200 : i32
      %mul3A_111 = arith.muli %add3A_109, %mul3A_110 : i32
      %mul3A_112 = arith.constant 200 : i32
      %mul3A_113 = arith.muli %add3A_109, %mul3A_112 : i32
      %add3A_114 = arith.constant 104 : i32
      %add3A_115 = arith.addi %mul3A_113, %add3A_114 : i32
      %dma_wait3A_116 = arith.constant 0 : i32
      %dma_wait3A_117 = arith.constant 0 : i32
      %dma_wait3A_118 = tpu.memref_slice %arg10[%dma_wait3A_116, %dma_wait3A_117] : memref<200x128xf32, #tpu.memory_space<vmem>> -> memref<104x128xf32, #tpu.memory_space<vmem>>
      %dma_wait3A_119 = tpu.memref_slice %arg9[%mul3A_111] : memref<6400xi32, #tpu.memory_space<vmem>> -> memref<104xi32, #tpu.memory_space<vmem>>
      %dma_wait3A_120 = arith.constant 0 : i32
      %dma_wait3A_121 = arith.constant 0 : i32
      %dma_wait3A_122 = tpu.memref_slice %arg4[%dma_wait3A_120, %dma_wait3A_121] : memref<1000x128xf32, #tpu.memory_space<hbm>> -> memref<1000x128xf32, #tpu.memory_space<hbm>>
      tpu.wait_indirect_dma semaphore(%arg18 : memref<!tpu.dma_semaphore, #tpu.memory_space<semaphore_mem>>) src(%dma_wait3A_122 : memref<1000x128xf32, #tpu.memory_space<hbm>>) dst(%dma_wait3A_118 : memref<104x128xf32, #tpu.memory_space<vmem>>)
      %dma_wait3A_123 = arith.constant 104 : i32
      %dma_wait3A_124 = arith.constant 0 : i32
      %dma_wait3A_125 = tpu.memref_slice %arg10[%dma_wait3A_123, %dma_wait3A_124] : memref<200x128xf32, #tpu.memory_space<vmem>> -> memref<96x128xf32, #tpu.memory_space<vmem>>
      %dma_wait3A_126 = tpu.memref_slice %arg9[%add3A_115] : memref<6400xi32, #tpu.memory_space<vmem>> -> memref<96xi32, #tpu.memory_space<vmem>>
      %dma_wait3A_127 = arith.constant 0 : i32
      %dma_wait3A_128 = arith.constant 0 : i32
      %dma_wait3A_129 = tpu.memref_slice %arg4[%dma_wait3A_127, %dma_wait3A_128] : memref<1000x128xf32, #tpu.memory_space<hbm>> -> memref<1000x128xf32, #tpu.memory_space<hbm>>
      tpu.wait_indirect_dma semaphore(%arg18 : memref<!tpu.dma_semaphore, #tpu.memory_space<semaphore_mem>>) src(%dma_wait3A_129 : memref<1000x128xf32, #tpu.memory_space<hbm>>) dst(%dma_wait3A_125 : memref<96x128xf32, #tpu.memory_space<vmem>>)
      %ge3A = arith.constant 2 : i32
      %ge3A_130 = arith.cmpi sge, %add3A_109, %ge3A : i32
      %convert_element_type3A = arith.extui %ge3A_130 : i1 to i32
      %cond3A = arith.constant 0 : i32
      %cond3A_131 = arith.cmpi ne, %convert_element_type3A, %cond3A : i32
      scf.if %cond3A_131 {
        %dma_wait3A_257 = arith.constant 0 : i32
        %dma_wait3A_258 = arith.constant 0 : i32
        %dma_wait3A_259 = tpu.memref_slice %arg8[%dma_wait3A_257, %dma_wait3A_258] : memref<204800x128xf32, #tpu.memory_space<hbm>> -> memref<200x128xf32, #tpu.memory_space<hbm>>
        %dma_wait3A_260 = arith.constant 0 : i32
        %dma_wait3A_261 = arith.constant 0 : i32
        %dma_wait3A_262 = tpu.memref_slice %arg8[%dma_wait3A_260, %dma_wait3A_261] : memref<204800x128xf32, #tpu.memory_space<hbm>> -> memref<200x128xf32, #tpu.memory_space<hbm>>
        tpu.wait_dma2 semaphore(%arg20 : memref<!tpu.dma_semaphore, #tpu.memory_space<semaphore_mem>>) src(%arg12 : memref<200x128xf32, #tpu.memory_space<vmem>>) dst(%dma_wait3A_262 : memref<200x128xf32, #tpu.memory_space<hbm>>)
      } else {
      }
      %get3A_132 = arith.index_cast %add3A_109 : i32 to index
      %get3A_133 = arith.constant 0 : index
      %get3A_134 = tpu.vector_load %arg15[%get3A_132, %get3A_133] {strides = array<i32>} : memref<32x128xf32, #tpu.memory_space<vmem>>, vector<1x16xf32>,
      %get3A_135 = vector.shape_cast %get3A_134 : vector<1x16xf32> to vector<16xf32>
      %get3A_136 = arith.index_cast %add3A_109 : i32 to index
      %get3A_137 = arith.constant 16 : index
      %get3A_138 = tpu.vector_load %arg15[%get3A_136, %get3A_137] {strides = array<i32>} : memref<32x128xf32, #tpu.memory_space<vmem>>, vector<1x16xf32>,
      %get3A_139 = vector.shape_cast %get3A_138 : vector<1x16xf32> to vector<16xf32>
      %get3A_140 = arith.index_cast %add3A_109 : i32 to index
      %get3A_141 = arith.constant 32 : index
      %get3A_142 = tpu.vector_load %arg15[%get3A_140, %get3A_141] {strides = array<i32>} : memref<32x128xf32, #tpu.memory_space<vmem>>, vector<1x16xf32>,
      %get3A_143 = vector.shape_cast %get3A_142 : vector<1x16xf32> to vector<16xf32>
      %get3A_144 = arith.index_cast %add3A_109 : i32 to index
      %get3A_145 = arith.constant 48 : index
      %get3A_146 = tpu.vector_load %arg15[%get3A_144, %get3A_145] {strides = array<i32>} : memref<32x128xf32, #tpu.memory_space<vmem>>, vector<1x16xf32>,
      %get3A_147 = vector.shape_cast %get3A_146 : vector<1x16xf32> to vector<16xf32>
      %get3A_148 = arith.index_cast %add3A_109 : i32 to index
      %get3A_149 = arith.constant 64 : index
      %get3A_150 = tpu.vector_load %arg15[%get3A_148, %get3A_149] {strides = array<i32>} : memref<32x128xf32, #tpu.memory_space<vmem>>, vector<1x16xf32>,
      %get3A_151 = vector.shape_cast %get3A_150 : vector<1x16xf32> to vector<16xf32>
      %get3A_152 = arith.index_cast %add3A_109 : i32 to index
      %get3A_153 = arith.constant 80 : index
      %get3A_154 = tpu.vector_load %arg15[%get3A_152, %get3A_153] {strides = array<i32>} : memref<32x128xf32, #tpu.memory_space<vmem>>, vector<1x16xf32>,
      %get3A_155 = vector.shape_cast %get3A_154 : vector<1x16xf32> to vector<16xf32>
      %get3A_156 = arith.index_cast %add3A_109 : i32 to index
      %get3A_157 = arith.constant 96 : index
      %get3A_158 = tpu.vector_load %arg15[%get3A_156, %get3A_157] {strides = array<i32>} : memref<32x128xf32, #tpu.memory_space<vmem>>, vector<1x16xf32>,
      %get3A_159 = vector.shape_cast %get3A_158 : vector<1x16xf32> to vector<16xf32>
      %get3A_160 = arith.index_cast %add3A_109 : i32 to index
      %get3A_161 = arith.constant 112 : index
      %get3A_162 = tpu.vector_load %arg15[%get3A_160, %get3A_161] {strides = array<i32>} : memref<32x128xf32, #tpu.memory_space<vmem>>, vector<1x16xf32>,
      %get3A_163 = vector.shape_cast %get3A_162 : vector<1x16xf32> to vector<16xf32>
      %parallel_loop3A = arith.constant 0 : i32
      %parallel_loop3A_164 = arith.constant 200 : i32
      %parallel_loop3A_165 = arith.constant 1 : i32
      scf.for %parallel_loop3A_257 = %parallel_loop3A to %parallel_loop3A_164 step %parallel_loop3A_165  : i32 {
        %parallel_loop3A_258 = arith.index_cast %parallel_loop3A_257 : i32 to index
        %parallel_loop3A_259 = arith.constant 0 : index
        %parallel_loop3A_260 = tpu.vector_load %arg10[%parallel_loop3A_258, %parallel_loop3A_259] {strides = array<i32>} : memref<200x128xf32, #tpu.memory_space<vmem>>, vector<1x16xf32>,
        %parallel_loop3A_261 = vector.shape_cast %parallel_loop3A_260 : vector<1x16xf32> to vector<16xf32>
        %parallel_loop3A_262 = arith.addf %parallel_loop3A_261, %get3A_135 : vector<16xf32>
        %parallel_loop3A_263 = arith.index_cast %parallel_loop3A_257 : i32 to index
        %parallel_loop3A_264 = arith.constant 16 : index
        %parallel_loop3A_265 = tpu.vector_load %arg10[%parallel_loop3A_263, %parallel_loop3A_264] {strides = array<i32>} : memref<200x128xf32, #tpu.memory_space<vmem>>, vector<1x16xf32>,
        %parallel_loop3A_266 = vector.shape_cast %parallel_loop3A_265 : vector<1x16xf32> to vector<16xf32>
        %parallel_loop3A_267 = arith.addf %parallel_loop3A_266, %get3A_139 : vector<16xf32>
        %parallel_loop3A_268 = arith.index_cast %parallel_loop3A_257 : i32 to index
        %parallel_loop3A_269 = arith.constant 32 : index
        %parallel_loop3A_270 = tpu.vector_load %arg10[%parallel_loop3A_268, %parallel_loop3A_269] {strides = array<i32>} : memref<200x128xf32, #tpu.memory_space<vmem>>, vector<1x16xf32>,
        %parallel_loop3A_271 = vector.shape_cast %parallel_loop3A_270 : vector<1x16xf32> to vector<16xf32>
        %parallel_loop3A_272 = arith.addf %parallel_loop3A_271, %get3A_143 : vector<16xf32>
        %parallel_loop3A_273 = arith.index_cast %parallel_loop3A_257 : i32 to index
        %parallel_loop3A_274 = arith.constant 48 : index
        %parallel_loop3A_275 = tpu.vector_load %arg10[%parallel_loop3A_273, %parallel_loop3A_274] {strides = array<i32>} : memref<200x128xf32, #tpu.memory_space<vmem>>, vector<1x16xf32>,
        %parallel_loop3A_276 = vector.shape_cast %parallel_loop3A_275 : vector<1x16xf32> to vector<16xf32>
        %parallel_loop3A_277 = arith.addf %parallel_loop3A_276, %get3A_147 : vector<16xf32>
        %parallel_loop3A_278 = arith.index_cast %parallel_loop3A_257 : i32 to index
        %parallel_loop3A_279 = arith.constant 64 : index
        %parallel_loop3A_280 = tpu.vector_load %arg10[%parallel_loop3A_278, %parallel_loop3A_279] {strides = array<i32>} : memref<200x128xf32, #tpu.memory_space<vmem>>, vector<1x16xf32>,
        %parallel_loop3A_281 = vector.shape_cast %parallel_loop3A_280 : vector<1x16xf32> to vector<16xf32>
        %parallel_loop3A_282 = arith.addf %parallel_loop3A_281, %get3A_151 : vector<16xf32>
        %parallel_loop3A_283 = arith.index_cast %parallel_loop3A_257 : i32 to index
        %parallel_loop3A_284 = arith.constant 80 : index
        %parallel_loop3A_285 = tpu.vector_load %arg10[%parallel_loop3A_283, %parallel_loop3A_284] {strides = array<i32>} : memref<200x128xf32, #tpu.memory_space<vmem>>, vector<1x16xf32>,
        %parallel_loop3A_286 = vector.shape_cast %parallel_loop3A_285 : vector<1x16xf32> to vector<16xf32>
        %parallel_loop3A_287 = arith.addf %parallel_loop3A_286, %get3A_155 : vector<16xf32>
        %parallel_loop3A_288 = arith.index_cast %parallel_loop3A_257 : i32 to index
        %parallel_loop3A_289 = arith.constant 96 : index
        %parallel_loop3A_290 = tpu.vector_load %arg10[%parallel_loop3A_288, %parallel_loop3A_289] {strides = array<i32>} : memref<200x128xf32, #tpu.memory_space<vmem>>, vector<1x16xf32>,
        %parallel_loop3A_291 = vector.shape_cast %parallel_loop3A_290 : vector<1x16xf32> to vector<16xf32>
        %parallel_loop3A_292 = arith.addf %parallel_loop3A_291, %get3A_159 : vector<16xf32>
        %parallel_loop3A_293 = arith.index_cast %parallel_loop3A_257 : i32 to index
        %parallel_loop3A_294 = arith.constant 112 : index
        %parallel_loop3A_295 = tpu.vector_load %arg10[%parallel_loop3A_293, %parallel_loop3A_294] {strides = array<i32>} : memref<200x128xf32, #tpu.memory_space<vmem>>, vector<1x16xf32>,
        %parallel_loop3A_296 = vector.shape_cast %parallel_loop3A_295 : vector<1x16xf32> to vector<16xf32>
        %parallel_loop3A_297 = arith.addf %parallel_loop3A_296, %get3A_163 : vector<16xf32>
        %parallel_loop3A_298 = arith.addf %parallel_loop3A_262, %parallel_loop3A_267 : vector<16xf32>
        %parallel_loop3A_299 = arith.addf %parallel_loop3A_272, %parallel_loop3A_277 : vector<16xf32>
        %parallel_loop3A_300 = arith.addf %parallel_loop3A_282, %parallel_loop3A_287 : vector<16xf32>
        %parallel_loop3A_301 = arith.addf %parallel_loop3A_292, %parallel_loop3A_297 : vector<16xf32>
        %parallel_loop3A_302 = arith.addf %parallel_loop3A_298, %parallel_loop3A_299 : vector<16xf32>
        %parallel_loop3A_303 = arith.addf %parallel_loop3A_300, %parallel_loop3A_301 : vector<16xf32>
        %parallel_loop3A_304 = arith.addf %parallel_loop3A_302, %parallel_loop3A_303 : vector<16xf32>
        %parallel_loop3A_305 = arith.mulf %parallel_loop3A_262, %parallel_loop3A_262 : vector<16xf32>
        %parallel_loop3A_306 = arith.mulf %parallel_loop3A_267, %parallel_loop3A_267 : vector<16xf32>
        %parallel_loop3A_307 = arith.mulf %parallel_loop3A_272, %parallel_loop3A_272 : vector<16xf32>
        %parallel_loop3A_308 = arith.mulf %parallel_loop3A_277, %parallel_loop3A_277 : vector<16xf32>
        %parallel_loop3A_309 = arith.mulf %parallel_loop3A_282, %parallel_loop3A_282 : vector<16xf32>
        %parallel_loop3A_310 = arith.mulf %parallel_loop3A_287, %parallel_loop3A_287 : vector<16xf32>
        %parallel_loop3A_311 = arith.mulf %parallel_loop3A_292, %parallel_loop3A_292 : vector<16xf32>
        %parallel_loop3A_312 = arith.mulf %parallel_loop3A_297, %parallel_loop3A_297 : vector<16xf32>
        %parallel_loop3A_313 = arith.addf %parallel_loop3A_305, %parallel_loop3A_306 : vector<16xf32>
        %parallel_loop3A_314 = arith.addf %parallel_loop3A_307, %parallel_loop3A_308 : vector<16xf32>
        %parallel_loop3A_315 = arith.addf %parallel_loop3A_309, %parallel_loop3A_310 : vector<16xf32>
        %parallel_loop3A_316 = arith.addf %parallel_loop3A_311, %parallel_loop3A_312 : vector<16xf32>
        %parallel_loop3A_317 = arith.addf %parallel_loop3A_313, %parallel_loop3A_314 : vector<16xf32>
        %parallel_loop3A_318 = arith.addf %parallel_loop3A_315, %parallel_loop3A_316 : vector<16xf32>
        %parallel_loop3A_319 = arith.addf %parallel_loop3A_317, %parallel_loop3A_318 : vector<16xf32>
        %parallel_loop3A_320 = tpu.iota {dimensions = array<i32: 0>} : vector<16xi32>
        %parallel_loop3A_321 = arith.constant 1 : i32
        %parallel_loop3A_322 = vector.broadcast %parallel_loop3A_321 : i32 to vector<16xi32>
        %parallel_loop3A_323 = arith.xori %parallel_loop3A_320, %parallel_loop3A_322 : vector<16xi32>
        %parallel_loop3A_324 = arith.constant 0 : i32
        %parallel_loop3A_325 = vector.broadcast %parallel_loop3A_324 : i32 to vector<16xi32>
        %parallel_loop3A_326 = arith.cmpi slt, %parallel_loop3A_323, %parallel_loop3A_325 : vector<16xi32>
        %parallel_loop3A_327 = arith.constant 16 : i32
        %parallel_loop3A_328 = vector.broadcast %parallel_loop3A_327 : i32 to vector<16xi32>
        %parallel_loop3A_329 = arith.addi %parallel_loop3A_323, %parallel_loop3A_328 : vector<16xi32>
        %parallel_loop3A_330 = arith.select %parallel_loop3A_326, %parallel_loop3A_329, %parallel_loop3A_323 : vector<16xi1>, vector<16xi32>
        %parallel_loop3A_331 = vector.shape_cast %parallel_loop3A_330 : vector<16xi32> to vector<16x1xi32>
        %parallel_loop3A_332 = vector.shape_cast %parallel_loop3A_331 : vector<16x1xi32> to vector<16xi32>
        %parallel_loop3A_333 = tpu.dynamic_gather %parallel_loop3A_304[%parallel_loop3A_332] in [0] : vector<16xf32>, vector<16xi32> -> vector<16xf32>
        %parallel_loop3A_334 = arith.addf %parallel_loop3A_304, %parallel_loop3A_333 : vector<16xf32>
        %parallel_loop3A_335 = arith.constant 2 : i32
        %parallel_loop3A_336 = vector.broadcast %parallel_loop3A_335 : i32 to vector<16xi32>
        %parallel_loop3A_337 = arith.xori %parallel_loop3A_320, %parallel_loop3A_336 : vector<16xi32>
        %parallel_loop3A_338 = arith.constant 0 : i32
        %parallel_loop3A_339 = vector.broadcast %parallel_loop3A_338 : i32 to vector<16xi32>
        %parallel_loop3A_340 = arith.cmpi slt, %parallel_loop3A_337, %parallel_loop3A_339 : vector<16xi32>
        %parallel_loop3A_341 = arith.constant 16 : i32
        %parallel_loop3A_342 = vector.broadcast %parallel_loop3A_341 : i32 to vector<16xi32>
        %parallel_loop3A_343 = arith.addi %parallel_loop3A_337, %parallel_loop3A_342 : vector<16xi32>
        %parallel_loop3A_344 = arith.select %parallel_loop3A_340, %parallel_loop3A_343, %parallel_loop3A_337 : vector<16xi1>, vector<16xi32>
        %parallel_loop3A_345 = vector.shape_cast %parallel_loop3A_344 : vector<16xi32> to vector<16x1xi32>
        %parallel_loop3A_346 = vector.shape_cast %parallel_loop3A_345 : vector<16x1xi32> to vector<16xi32>
        %parallel_loop3A_347 = tpu.dynamic_gather %parallel_loop3A_334[%parallel_loop3A_346] in [0] : vector<16xf32>, vector<16xi32> -> vector<16xf32>
        %parallel_loop3A_348 = arith.addf %parallel_loop3A_334, %parallel_loop3A_347 : vector<16xf32>
        %parallel_loop3A_349 = arith.constant 4 : i32
        %parallel_loop3A_350 = vector.broadcast %parallel_loop3A_349 : i32 to vector<16xi32>
        %parallel_loop3A_351 = arith.xori %parallel_loop3A_320, %parallel_loop3A_350 : vector<16xi32>
        %parallel_loop3A_352 = arith.constant 0 : i32
        %parallel_loop3A_353 = vector.broadcast %parallel_loop3A_352 : i32 to vector<16xi32>
        %parallel_loop3A_354 = arith.cmpi slt, %parallel_loop3A_351, %parallel_loop3A_353 : vector<16xi32>
        %parallel_loop3A_355 = arith.constant 16 : i32
        %parallel_loop3A_356 = vector.broadcast %parallel_loop3A_355 : i32 to vector<16xi32>
        %parallel_loop3A_357 = arith.addi %parallel_loop3A_351, %parallel_loop3A_356 : vector<16xi32>
        %parallel_loop3A_358 = arith.select %parallel_loop3A_354, %parallel_loop3A_357, %parallel_loop3A_351 : vector<16xi1>, vector<16xi32>
        %parallel_loop3A_359 = vector.shape_cast %parallel_loop3A_358 : vector<16xi32> to vector<16x1xi32>
        %parallel_loop3A_360 = vector.shape_cast %parallel_loop3A_359 : vector<16x1xi32> to vector<16xi32>
        %parallel_loop3A_361 = tpu.dynamic_gather %parallel_loop3A_348[%parallel_loop3A_360] in [0] : vector<16xf32>, vector<16xi32> -> vector<16xf32>
        %parallel_loop3A_362 = arith.addf %parallel_loop3A_348, %parallel_loop3A_361 : vector<16xf32>
        %parallel_loop3A_363 = arith.constant 8 : i32
        %parallel_loop3A_364 = vector.broadcast %parallel_loop3A_363 : i32 to vector<16xi32>
        %parallel_loop3A_365 = arith.xori %parallel_loop3A_320, %parallel_loop3A_364 : vector<16xi32>
        %parallel_loop3A_366 = arith.constant 0 : i32
        %parallel_loop3A_367 = vector.broadcast %parallel_loop3A_366 : i32 to vector<16xi32>
        %parallel_loop3A_368 = arith.cmpi slt, %parallel_loop3A_365, %parallel_loop3A_367 : vector<16xi32>
        %parallel_loop3A_369 = arith.constant 16 : i32
        %parallel_loop3A_370 = vector.broadcast %parallel_loop3A_369 : i32 to vector<16xi32>
        %parallel_loop3A_371 = arith.addi %parallel_loop3A_365, %parallel_loop3A_370 : vector<16xi32>
        %parallel_loop3A_372 = arith.select %parallel_loop3A_368, %parallel_loop3A_371, %parallel_loop3A_365 : vector<16xi1>, vector<16xi32>
        %parallel_loop3A_373 = vector.shape_cast %parallel_loop3A_372 : vector<16xi32> to vector<16x1xi32>
        %parallel_loop3A_374 = vector.shape_cast %parallel_loop3A_373 : vector<16x1xi32> to vector<16xi32>
        %parallel_loop3A_375 = tpu.dynamic_gather %parallel_loop3A_362[%parallel_loop3A_374] in [0] : vector<16xf32>, vector<16xi32> -> vector<16xf32>
        %parallel_loop3A_376 = arith.addf %parallel_loop3A_362, %parallel_loop3A_375 : vector<16xf32>
        %parallel_loop3A_377 = arith.constant 7.812500e-03 : f32
        %parallel_loop3A_378 = vector.broadcast %parallel_loop3A_377 : f32 to vector<16xf32>
        %parallel_loop3A_379 = arith.mulf %parallel_loop3A_376, %parallel_loop3A_378 : vector<16xf32>
        %parallel_loop3A_380 = tpu.iota {dimensions = array<i32: 0>} : vector<16xi32>
        %parallel_loop3A_381 = arith.constant 1 : i32
        %parallel_loop3A_382 = vector.broadcast %parallel_loop3A_381 : i32 to vector<16xi32>
        %parallel_loop3A_383 = arith.xori %parallel_loop3A_380, %parallel_loop3A_382 : vector<16xi32>
        %parallel_loop3A_384 = arith.constant 0 : i32
        %parallel_loop3A_385 = vector.broadcast %parallel_loop3A_384 : i32 to vector<16xi32>
        %parallel_loop3A_386 = arith.cmpi slt, %parallel_loop3A_383, %parallel_loop3A_385 : vector<16xi32>
        %parallel_loop3A_387 = arith.constant 16 : i32
        %parallel_loop3A_388 = vector.broadcast %parallel_loop3A_387 : i32 to vector<16xi32>
        %parallel_loop3A_389 = arith.addi %parallel_loop3A_383, %parallel_loop3A_388 : vector<16xi32>
        %parallel_loop3A_390 = arith.select %parallel_loop3A_386, %parallel_loop3A_389, %parallel_loop3A_383 : vector<16xi1>, vector<16xi32>
        %parallel_loop3A_391 = vector.shape_cast %parallel_loop3A_390 : vector<16xi32> to vector<16x1xi32>
        %parallel_loop3A_392 = vector.shape_cast %parallel_loop3A_391 : vector<16x1xi32> to vector<16xi32>
        %parallel_loop3A_393 = tpu.dynamic_gather %parallel_loop3A_319[%parallel_loop3A_392] in [0] : vector<16xf32>, vector<16xi32> -> vector<16xf32>
        %parallel_loop3A_394 = arith.addf %parallel_loop3A_319, %parallel_loop3A_393 : vector<16xf32>
        %parallel_loop3A_395 = arith.constant 2 : i32
        %parallel_loop3A_396 = vector.broadcast %parallel_loop3A_395 : i32 to vector<16xi32>
        %parallel_loop3A_397 = arith.xori %parallel_loop3A_380, %parallel_loop3A_396 : vector<16xi32>
        %parallel_loop3A_398 = arith.constant 0 : i32
        %parallel_loop3A_399 = vector.broadcast %parallel_loop3A_398 : i32 to vector<16xi32>
        %parallel_loop3A_400 = arith.cmpi slt, %parallel_loop3A_397, %parallel_loop3A_399 : vector<16xi32>
        %parallel_loop3A_401 = arith.constant 16 : i32
        %parallel_loop3A_402 = vector.broadcast %parallel_loop3A_401 : i32 to vector<16xi32>
        %parallel_loop3A_403 = arith.addi %parallel_loop3A_397, %parallel_loop3A_402 : vector<16xi32>
        %parallel_loop3A_404 = arith.select %parallel_loop3A_400, %parallel_loop3A_403, %parallel_loop3A_397 : vector<16xi1>, vector<16xi32>
        %parallel_loop3A_405 = vector.shape_cast %parallel_loop3A_404 : vector<16xi32> to vector<16x1xi32>
        %parallel_loop3A_406 = vector.shape_cast %parallel_loop3A_405 : vector<16x1xi32> to vector<16xi32>
        %parallel_loop3A_407 = tpu.dynamic_gather %parallel_loop3A_394[%parallel_loop3A_406] in [0] : vector<16xf32>, vector<16xi32> -> vector<16xf32>
        %parallel_loop3A_408 = arith.addf %parallel_loop3A_394, %parallel_loop3A_407 : vector<16xf32>
        %parallel_loop3A_409 = arith.constant 4 : i32
        %parallel_loop3A_410 = vector.broadcast %parallel_loop3A_409 : i32 to vector<16xi32>
        %parallel_loop3A_411 = arith.xori %parallel_loop3A_380, %parallel_loop3A_410 : vector<16xi32>
        %parallel_loop3A_412 = arith.constant 0 : i32
        %parallel_loop3A_413 = vector.broadcast %parallel_loop3A_412 : i32 to vector<16xi32>
        %parallel_loop3A_414 = arith.cmpi slt, %parallel_loop3A_411, %parallel_loop3A_413 : vector<16xi32>
        %parallel_loop3A_415 = arith.constant 16 : i32
        %parallel_loop3A_416 = vector.broadcast %parallel_loop3A_415 : i32 to vector<16xi32>
        %parallel_loop3A_417 = arith.addi %parallel_loop3A_411, %parallel_loop3A_416 : vector<16xi32>
        %parallel_loop3A_418 = arith.select %parallel_loop3A_414, %parallel_loop3A_417, %parallel_loop3A_411 : vector<16xi1>, vector<16xi32>
        %parallel_loop3A_419 = vector.shape_cast %parallel_loop3A_418 : vector<16xi32> to vector<16x1xi32>
        %parallel_loop3A_420 = vector.shape_cast %parallel_loop3A_419 : vector<16x1xi32> to vector<16xi32>
        %parallel_loop3A_421 = tpu.dynamic_gather %parallel_loop3A_408[%parallel_loop3A_420] in [0] : vector<16xf32>, vector<16xi32> -> vector<16xf32>
        %parallel_loop3A_422 = arith.addf %parallel_loop3A_408, %parallel_loop3A_421 : vector<16xf32>
        %parallel_loop3A_423 = arith.constant 8 : i32
        %parallel_loop3A_424 = vector.broadcast %parallel_loop3A_423 : i32 to vector<16xi32>
        %parallel_loop3A_425 = arith.xori %parallel_loop3A_380, %parallel_loop3A_424 : vector<16xi32>
        %parallel_loop3A_426 = arith.constant 0 : i32
        %parallel_loop3A_427 = vector.broadcast %parallel_loop3A_426 : i32 to vector<16xi32>
        %parallel_loop3A_428 = arith.cmpi slt, %parallel_loop3A_425, %parallel_loop3A_427 : vector<16xi32>
        %parallel_loop3A_429 = arith.constant 16 : i32
        %parallel_loop3A_430 = vector.broadcast %parallel_loop3A_429 : i32 to vector<16xi32>
        %parallel_loop3A_431 = arith.addi %parallel_loop3A_425, %parallel_loop3A_430 : vector<16xi32>
        %parallel_loop3A_432 = arith.select %parallel_loop3A_428, %parallel_loop3A_431, %parallel_loop3A_425 : vector<16xi1>, vector<16xi32>
        %parallel_loop3A_433 = vector.shape_cast %parallel_loop3A_432 : vector<16xi32> to vector<16x1xi32>
        %parallel_loop3A_434 = vector.shape_cast %parallel_loop3A_433 : vector<16x1xi32> to vector<16xi32>
        %parallel_loop3A_435 = tpu.dynamic_gather %parallel_loop3A_422[%parallel_loop3A_434] in [0] : vector<16xf32>, vector<16xi32> -> vector<16xf32>
        %parallel_loop3A_436 = arith.addf %parallel_loop3A_422, %parallel_loop3A_435 : vector<16xf32>
        %parallel_loop3A_437 = arith.constant 7.812500e-03 : f32
        %parallel_loop3A_438 = vector.broadcast %parallel_loop3A_437 : f32 to vector<16xf32>
        %parallel_loop3A_439 = arith.mulf %parallel_loop3A_436, %parallel_loop3A_438 : vector<16xf32>
        %parallel_loop3A_440 = arith.mulf %parallel_loop3A_379, %parallel_loop3A_379 : vector<16xf32>
        %parallel_loop3A_441 = arith.subf %parallel_loop3A_439, %parallel_loop3A_440 : vector<16xf32>
        %parallel_loop3A_442 = arith.constant 9.99999996E-13 : f32
        %parallel_loop3A_443 = vector.broadcast %parallel_loop3A_442 : f32 to vector<16xf32>
        %parallel_loop3A_444 = arith.addf %parallel_loop3A_441, %parallel_loop3A_443 : vector<16xf32>
        %parallel_loop3A_445 = tpu.bitcast %parallel_loop3A_444 : vector<16xf32> -> vector<16xi32>
        %parallel_loop3A_446 = arith.constant 1 : i32
        %parallel_loop3A_447 = vector.broadcast %parallel_loop3A_446 : i32 to vector<16xi32>
        %parallel_loop3A_448 = arith.shrsi %parallel_loop3A_445, %parallel_loop3A_447 : vector<16xi32>
        %parallel_loop3A_449 = arith.constant 1597463007 : i32
        %parallel_loop3A_450 = vector.broadcast %parallel_loop3A_449 : i32 to vector<16xi32>
        %parallel_loop3A_451 = arith.subi %parallel_loop3A_450, %parallel_loop3A_448 : vector<16xi32>
        %parallel_loop3A_452 = tpu.bitcast %parallel_loop3A_451 : vector<16xi32> -> vector<16xf32>
        %parallel_loop3A_453 = arith.constant 5.000000e-01 : f32
        %parallel_loop3A_454 = vector.broadcast %parallel_loop3A_453 : f32 to vector<16xf32>
        %parallel_loop3A_455 = arith.mulf %parallel_loop3A_454, %parallel_loop3A_444 : vector<16xf32>
        %parallel_loop3A_456 = arith.mulf %parallel_loop3A_455, %parallel_loop3A_452 : vector<16xf32>
        %parallel_loop3A_457 = arith.mulf %parallel_loop3A_456, %parallel_loop3A_452 : vector<16xf32>
        %parallel_loop3A_458 = arith.constant 1.500000e+00 : f32
        %parallel_loop3A_459 = vector.broadcast %parallel_loop3A_458 : f32 to vector<16xf32>
        %parallel_loop3A_460 = arith.subf %parallel_loop3A_459, %parallel_loop3A_457 : vector<16xf32>
        %parallel_loop3A_461 = arith.mulf %parallel_loop3A_452, %parallel_loop3A_460 : vector<16xf32>
        %parallel_loop3A_462 = arith.mulf %parallel_loop3A_455, %parallel_loop3A_461 : vector<16xf32>
        %parallel_loop3A_463 = arith.mulf %parallel_loop3A_462, %parallel_loop3A_461 : vector<16xf32>
        %parallel_loop3A_464 = arith.constant 1.500000e+00 : f32
        %parallel_loop3A_465 = vector.broadcast %parallel_loop3A_464 : f32 to vector<16xf32>
        %parallel_loop3A_466 = arith.subf %parallel_loop3A_465, %parallel_loop3A_463 : vector<16xf32>
        %parallel_loop3A_467 = arith.mulf %parallel_loop3A_461, %parallel_loop3A_466 : vector<16xf32>
        %parallel_loop3A_468 = arith.subf %parallel_loop3A_262, %parallel_loop3A_379 : vector<16xf32>
        %parallel_loop3A_469 = arith.mulf %parallel_loop3A_467, %get3A_10 : vector<16xf32>
        %parallel_loop3A_470 = arith.mulf %parallel_loop3A_468, %parallel_loop3A_469 : vector<16xf32>
        %parallel_loop3A_471 = arith.addf %parallel_loop3A_470, %get3A_34 : vector<16xf32>
        %parallel_loop3A_472 = arith.index_cast %parallel_loop3A_257 : i32 to index
        %parallel_loop3A_473 = arith.constant 0 : index
        %parallel_loop3A_474 = tpu.vector_load %arg12[%parallel_loop3A_472, %parallel_loop3A_473] {strides = array<i32>} : memref<200x128xf32, #tpu.memory_space<vmem>>, vector<1x16xf32>,
        %parallel_loop3A_475 = vector.shape_cast %parallel_loop3A_474 : vector<1x16xf32> to vector<16xf32>
        %parallel_loop3A_476 = vector.shape_cast %parallel_loop3A_471 : vector<16xf32> to vector<1x16xf32>
        tpu.vector_store %arg12[%parallel_loop3A_472, %parallel_loop3A_473], %parallel_loop3A_476 {strides = array<i32>} : memref<200x128xf32, #tpu.memory_space<vmem>>, vector<1x16xf32>,
        %parallel_loop3A_477 = arith.subf %parallel_loop3A_267, %parallel_loop3A_379 : vector<16xf32>
        %parallel_loop3A_478 = arith.mulf %parallel_loop3A_467, %get3A_13 : vector<16xf32>
        %parallel_loop3A_479 = arith.mulf %parallel_loop3A_477, %parallel_loop3A_478 : vector<16xf32>
        %parallel_loop3A_480 = arith.addf %parallel_loop3A_479, %get3A_37 : vector<16xf32>
        %parallel_loop3A_481 = arith.index_cast %parallel_loop3A_257 : i32 to index
        %parallel_loop3A_482 = arith.constant 16 : index
        %parallel_loop3A_483 = tpu.vector_load %arg12[%parallel_loop3A_481, %parallel_loop3A_482] {strides = array<i32>} : memref<200x128xf32, #tpu.memory_space<vmem>>, vector<1x16xf32>,
        %parallel_loop3A_484 = vector.shape_cast %parallel_loop3A_483 : vector<1x16xf32> to vector<16xf32>
        %parallel_loop3A_485 = vector.shape_cast %parallel_loop3A_480 : vector<16xf32> to vector<1x16xf32>
        tpu.vector_store %arg12[%parallel_loop3A_481, %parallel_loop3A_482], %parallel_loop3A_485 {strides = array<i32>} : memref<200x128xf32, #tpu.memory_space<vmem>>, vector<1x16xf32>,
        %parallel_loop3A_486 = arith.subf %parallel_loop3A_272, %parallel_loop3A_379 : vector<16xf32>
        %parallel_loop3A_487 = arith.mulf %parallel_loop3A_467, %get3A_16 : vector<16xf32>
        %parallel_loop3A_488 = arith.mulf %parallel_loop3A_486, %parallel_loop3A_487 : vector<16xf32>
        %parallel_loop3A_489 = arith.addf %parallel_loop3A_488, %get3A_40 : vector<16xf32>
        %parallel_loop3A_490 = arith.index_cast %parallel_loop3A_257 : i32 to index
        %parallel_loop3A_491 = arith.constant 32 : index
        %parallel_loop3A_492 = tpu.vector_load %arg12[%parallel_loop3A_490, %parallel_loop3A_491] {strides = array<i32>} : memref<200x128xf32, #tpu.memory_space<vmem>>, vector<1x16xf32>,
        %parallel_loop3A_493 = vector.shape_cast %parallel_loop3A_492 : vector<1x16xf32> to vector<16xf32>
        %parallel_loop3A_494 = vector.shape_cast %parallel_loop3A_489 : vector<16xf32> to vector<1x16xf32>
        tpu.vector_store %arg12[%parallel_loop3A_490, %parallel_loop3A_491], %parallel_loop3A_494 {strides = array<i32>} : memref<200x128xf32, #tpu.memory_space<vmem>>, vector<1x16xf32>,
        %parallel_loop3A_495 = arith.subf %parallel_loop3A_277, %parallel_loop3A_379 : vector<16xf32>
        %parallel_loop3A_496 = arith.mulf %parallel_loop3A_467, %get3A_19 : vector<16xf32>
        %parallel_loop3A_497 = arith.mulf %parallel_loop3A_495, %parallel_loop3A_496 : vector<16xf32>
        %parallel_loop3A_498 = arith.addf %parallel_loop3A_497, %get3A_43 : vector<16xf32>
        %parallel_loop3A_499 = arith.index_cast %parallel_loop3A_257 : i32 to index
        %parallel_loop3A_500 = arith.constant 48 : index
        %parallel_loop3A_501 = tpu.vector_load %arg12[%parallel_loop3A_499, %parallel_loop3A_500] {strides = array<i32>} : memref<200x128xf32, #tpu.memory_space<vmem>>, vector<1x16xf32>,
        %parallel_loop3A_502 = vector.shape_cast %parallel_loop3A_501 : vector<1x16xf32> to vector<16xf32>
        %parallel_loop3A_503 = vector.shape_cast %parallel_loop3A_498 : vector<16xf32> to vector<1x16xf32>
        tpu.vector_store %arg12[%parallel_loop3A_499, %parallel_loop3A_500], %parallel_loop3A_503 {strides = array<i32>} : memref<200x128xf32, #tpu.memory_space<vmem>>, vector<1x16xf32>,
        %parallel_loop3A_504 = arith.subf %parallel_loop3A_282, %parallel_loop3A_379 : vector<16xf32>
        %parallel_loop3A_505 = arith.mulf %parallel_loop3A_467, %get3A_22 : vector<16xf32>
        %parallel_loop3A_506 = arith.mulf %parallel_loop3A_504, %parallel_loop3A_505 : vector<16xf32>
        %parallel_loop3A_507 = arith.addf %parallel_loop3A_506, %get3A_46 : vector<16xf32>
        %parallel_loop3A_508 = arith.index_cast %parallel_loop3A_257 : i32 to index
        %parallel_loop3A_509 = arith.constant 64 : index
        %parallel_loop3A_510 = tpu.vector_load %arg12[%parallel_loop3A_508, %parallel_loop3A_509] {strides = array<i32>} : memref<200x128xf32, #tpu.memory_space<vmem>>, vector<1x16xf32>,
        %parallel_loop3A_511 = vector.shape_cast %parallel_loop3A_510 : vector<1x16xf32> to vector<16xf32>
        %parallel_loop3A_512 = vector.shape_cast %parallel_loop3A_507 : vector<16xf32> to vector<1x16xf32>
        tpu.vector_store %arg12[%parallel_loop3A_508, %parallel_loop3A_509], %parallel_loop3A_512 {strides = array<i32>} : memref<200x128xf32, #tpu.memory_space<vmem>>, vector<1x16xf32>,
        %parallel_loop3A_513 = arith.subf %parallel_loop3A_287, %parallel_loop3A_379 : vector<16xf32>
        %parallel_loop3A_514 = arith.mulf %parallel_loop3A_467, %get3A_25 : vector<16xf32>
        %parallel_loop3A_515 = arith.mulf %parallel_loop3A_513, %parallel_loop3A_514 : vector<16xf32>
        %parallel_loop3A_516 = arith.addf %parallel_loop3A_515, %get3A_49 : vector<16xf32>
        %parallel_loop3A_517 = arith.index_cast %parallel_loop3A_257 : i32 to index
        %parallel_loop3A_518 = arith.constant 80 : index
        %parallel_loop3A_519 = tpu.vector_load %arg12[%parallel_loop3A_517, %parallel_loop3A_518] {strides = array<i32>} : memref<200x128xf32, #tpu.memory_space<vmem>>, vector<1x16xf32>,
        %parallel_loop3A_520 = vector.shape_cast %parallel_loop3A_519 : vector<1x16xf32> to vector<16xf32>
        %parallel_loop3A_521 = vector.shape_cast %parallel_loop3A_516 : vector<16xf32> to vector<1x16xf32>
        tpu.vector_store %arg12[%parallel_loop3A_517, %parallel_loop3A_518], %parallel_loop3A_521 {strides = array<i32>} : memref<200x128xf32, #tpu.memory_space<vmem>>, vector<1x16xf32>,
        %parallel_loop3A_522 = arith.subf %parallel_loop3A_292, %parallel_loop3A_379 : vector<16xf32>
        %parallel_loop3A_523 = arith.mulf %parallel_loop3A_467, %get3A_28 : vector<16xf32>
        %parallel_loop3A_524 = arith.mulf %parallel_loop3A_522, %parallel_loop3A_523 : vector<16xf32>
        %parallel_loop3A_525 = arith.addf %parallel_loop3A_524, %get3A_52 : vector<16xf32>
        %parallel_loop3A_526 = arith.index_cast %parallel_loop3A_257 : i32 to index
        %parallel_loop3A_527 = arith.constant 96 : index
        %parallel_loop3A_528 = tpu.vector_load %arg12[%parallel_loop3A_526, %parallel_loop3A_527] {strides = array<i32>} : memref<200x128xf32, #tpu.memory_space<vmem>>, vector<1x16xf32>,
        %parallel_loop3A_529 = vector.shape_cast %parallel_loop3A_528 : vector<1x16xf32> to vector<16xf32>
        %parallel_loop3A_530 = vector.shape_cast %parallel_loop3A_525 : vector<16xf32> to vector<1x16xf32>
        tpu.vector_store %arg12[%parallel_loop3A_526, %parallel_loop3A_527], %parallel_loop3A_530 {strides = array<i32>} : memref<200x128xf32, #tpu.memory_space<vmem>>, vector<1x16xf32>,
        %parallel_loop3A_531 = arith.subf %parallel_loop3A_297, %parallel_loop3A_379 : vector<16xf32>
        %parallel_loop3A_532 = arith.mulf %parallel_loop3A_467, %get3A_31 : vector<16xf32>
        %parallel_loop3A_533 = arith.mulf %parallel_loop3A_531, %parallel_loop3A_532 : vector<16xf32>
        %parallel_loop3A_534 = arith.addf %parallel_loop3A_533, %get3A_55 : vector<16xf32>
        %parallel_loop3A_535 = arith.index_cast %parallel_loop3A_257 : i32 to index
        %parallel_loop3A_536 = arith.constant 112 : index
        %parallel_loop3A_537 = tpu.vector_load %arg12[%parallel_loop3A_535, %parallel_loop3A_536] {strides = array<i32>} : memref<200x128xf32, #tpu.memory_space<vmem>>, vector<1x16xf32>,
        %parallel_loop3A_538 = vector.shape_cast %parallel_loop3A_537 : vector<1x16xf32> to vector<16xf32>
        %parallel_loop3A_539 = vector.shape_cast %parallel_loop3A_534 : vector<16xf32> to vector<1x16xf32>
        tpu.vector_store %arg12[%parallel_loop3A_535, %parallel_loop3A_536], %parallel_loop3A_539 {strides = array<i32>} : memref<200x128xf32, #tpu.memory_space<vmem>>, vector<1x16xf32>,
      } {sc.loop_unroll_factor = 4 : i64, sc.parallel_access}
      %add3A_166 = arith.addi %mul3A_2, %add3A_109 : i32
      %mul3A_167 = arith.constant 200 : i32
      %mul3A_168 = arith.muli %add3A_166, %mul3A_167 : i32
      %dma_start3A_169 = arith.constant 0 : i32
      %dma_start3A_170 = tpu.memref_slice %arg8[%mul3A_168, %dma_start3A_169] : memref<204800x128xf32, #tpu.memory_space<hbm>> -> memref<200x128xf32, #tpu.memory_space<hbm>>
      %dma_start3A_171 = arith.constant 0 : i32
      %dma_start3A_172 = tpu.memref_slice %arg8[%mul3A_168, %dma_start3A_171] : memref<204800x128xf32, #tpu.memory_space<hbm>> -> memref<200x128xf32, #tpu.memory_space<hbm>>
      tpu.enqueue_dma source(%arg12 : memref<200x128xf32, #tpu.memory_space<vmem>>) target(%dma_start3A_172 : memref<200x128xf32, #tpu.memory_space<hbm>>) target_semaphore(%arg20 : memref<!tpu.dma_semaphore, #tpu.memory_space<semaphore_mem>>)
      %add3A_173 = arith.constant 2 : i32
      %add3A_174 = arith.addi %add3A_109, %add3A_173 : i32
      %lt3A = arith.constant 32 : i32
      %lt3A_175 = arith.cmpi slt, %add3A_174, %lt3A : i32
      %convert_element_type3A_176 = arith.extui %lt3A_175 : i1 to i32
      %cond3A_177 = arith.constant 0 : i32
      %cond3A_178 = arith.cmpi ne, %convert_element_type3A_176, %cond3A_177 : i32
      scf.if %cond3A_178 {
        %add3A_257 = arith.constant 2 : i32
        %add3A_258 = arith.addi %add3A_109, %add3A_257 : i32
        %mul3A_259 = arith.constant 200 : i32
        %mul3A_260 = arith.muli %add3A_258, %mul3A_259 : i32
        %mul3A_261 = arith.constant 200 : i32
        %mul3A_262 = arith.muli %add3A_258, %mul3A_261 : i32
        %add3A_263 = arith.constant 104 : i32
        %add3A_264 = arith.addi %mul3A_262, %add3A_263 : i32
        %dma_start3A_265 = arith.constant 0 : i32
        %dma_start3A_266 = arith.constant 0 : i32
        %dma_start3A_267 = tpu.memref_slice %arg10[%dma_start3A_265, %dma_start3A_266] : memref<200x128xf32, #tpu.memory_space<vmem>> -> memref<104x128xf32, #tpu.memory_space<vmem>>
        %dma_start3A_268 = tpu.memref_slice %arg9[%mul3A_260] : memref<6400xi32, #tpu.memory_space<vmem>> -> memref<104xi32, #tpu.memory_space<vmem>>
        %dma_start3A_269 = arith.constant 0 : i32
        %dma_start3A_270 = arith.constant 0 : i32
        %dma_start3A_271 = tpu.memref_slice %arg4[%dma_start3A_269, %dma_start3A_270] : memref<1000x128xf32, #tpu.memory_space<hbm>> -> memref<1000x128xf32, #tpu.memory_space<hbm>>
        tpu.enqueue_indirect_dma source(%dma_start3A_271 : memref<1000x128xf32, #tpu.memory_space<hbm>>) target(%dma_start3A_267 : memref<104x128xf32, #tpu.memory_space<vmem>>) offsets(%dma_start3A_268 : memref<104xi32, #tpu.memory_space<vmem>>) semaphore(%arg18 : memref<!tpu.dma_semaphore, #tpu.memory_space<semaphore_mem>>)
        %dma_start3A_272 = arith.constant 104 : i32
        %dma_start3A_273 = arith.constant 0 : i32
        %dma_start3A_274 = tpu.memref_slice %arg10[%dma_start3A_272, %dma_start3A_273] : memref<200x128xf32, #tpu.memory_space<vmem>> -> memref<96x128xf32, #tpu.memory_space<vmem>>
        %dma_start3A_275 = tpu.memref_slice %arg9[%add3A_264] : memref<6400xi32, #tpu.memory_space<vmem>> -> memref<96xi32, #tpu.memory_space<vmem>>
        %dma_start3A_276 = arith.constant 0 : i32
        %dma_start3A_277 = arith.constant 0 : i32
        %dma_start3A_278 = tpu.memref_slice %arg4[%dma_start3A_276, %dma_start3A_277] : memref<1000x128xf32, #tpu.memory_space<hbm>> -> memref<1000x128xf32, #tpu.memory_space<hbm>>
        tpu.enqueue_indirect_dma source(%dma_start3A_278 : memref<1000x128xf32, #tpu.memory_space<hbm>>) target(%dma_start3A_274 : memref<96x128xf32, #tpu.memory_space<vmem>>) offsets(%dma_start3A_275 : memref<96xi32, #tpu.memory_space<vmem>>) semaphore(%arg18 : memref<!tpu.dma_semaphore, #tpu.memory_space<semaphore_mem>>)
      } else {
      }
      %mul3A_179 = arith.constant 2 : i32
      %mul3A_180 = arith.muli %mul3A_179, %scan3A_105 : i32
      %add3A_181 = arith.constant 1 : i32
      %add3A_182 = arith.addi %mul3A_180, %add3A_181 : i32
      %mul3A_183 = arith.constant 200 : i32
      %mul3A_184 = arith.muli %add3A_182, %mul3A_183 : i32
      %mul3A_185 = arith.constant 200 : i32
      %mul3A_186 = arith.muli %add3A_182, %mul3A_185 : i32
      %add3A_187 = arith.constant 104 : i32
      %add3A_188 = arith.addi %mul3A_186, %add3A_187 : i32
      %dma_wait3A_189 = arith.constant 0 : i32
      %dma_wait3A_190 = arith.constant 0 : i32
      %dma_wait3A_191 = tpu.memref_slice %arg11[%dma_wait3A_189, %dma_wait3A_190] : memref<200x128xf32, #tpu.memory_space<vmem>> -> memref<104x128xf32, #tpu.memory_space<vmem>>
      %dma_wait3A_192 = tpu.memref_slice %arg9[%mul3A_184] : memref<6400xi32, #tpu.memory_space<vmem>> -> memref<104xi32, #tpu.memory_space<vmem>>
      %dma_wait3A_193 = arith.constant 0 : i32
      %dma_wait3A_194 = arith.constant 0 : i32
      %dma_wait3A_195 = tpu.memref_slice %arg4[%dma_wait3A_193, %dma_wait3A_194] : memref<1000x128xf32, #tpu.memory_space<hbm>> -> memref<1000x128xf32, #tpu.memory_space<hbm>>
      tpu.wait_indirect_dma semaphore(%arg19 : memref<!tpu.dma_semaphore, #tpu.memory_space<semaphore_mem>>) src(%dma_wait3A_195 : memref<1000x128xf32, #tpu.memory_space<hbm>>) dst(%dma_wait3A_191 : memref<104x128xf32, #tpu.memory_space<vmem>>)
      %dma_wait3A_196 = arith.constant 104 : i32
      %dma_wait3A_197 = arith.constant 0 : i32
      %dma_wait3A_198 = tpu.memref_slice %arg11[%dma_wait3A_196, %dma_wait3A_197] : memref<200x128xf32, #tpu.memory_space<vmem>> -> memref<96x128xf32, #tpu.memory_space<vmem>>
      %dma_wait3A_199 = tpu.memref_slice %arg9[%add3A_188] : memref<6400xi32, #tpu.memory_space<vmem>> -> memref<96xi32, #tpu.memory_space<vmem>>
      %dma_wait3A_200 = arith.constant 0 : i32
      %dma_wait3A_201 = arith.constant 0 : i32
      %dma_wait3A_202 = tpu.memref_slice %arg4[%dma_wait3A_200, %dma_wait3A_201] : memref<1000x128xf32, #tpu.memory_space<hbm>> -> memref<1000x128xf32, #tpu.memory_space<hbm>>
      tpu.wait_indirect_dma semaphore(%arg19 : memref<!tpu.dma_semaphore, #tpu.memory_space<semaphore_mem>>) src(%dma_wait3A_202 : memref<1000x128xf32, #tpu.memory_space<hbm>>) dst(%dma_wait3A_198 : memref<96x128xf32, #tpu.memory_space<vmem>>)
      %ge3A_203 = arith.constant 2 : i32
      %ge3A_204 = arith.cmpi sge, %add3A_182, %ge3A_203 : i32
      %convert_element_type3A_205 = arith.extui %ge3A_204 : i1 to i32
      %cond3A_206 = arith.constant 0 : i32
      %cond3A_207 = arith.cmpi ne, %convert_element_type3A_205, %cond3A_206 : i32
      scf.if %cond3A_207 {
        %dma_wait3A_257 = arith.constant 0 : i32
        %dma_wait3A_258 = arith.constant 0 : i32
        %dma_wait3A_259 = tpu.memref_slice %arg8[%dma_wait3A_257, %dma_wait3A_258] : memref<204800x128xf32, #tpu.memory_space<hbm>> -> memref<200x128xf32, #tpu.memory_space<hbm>>
        %dma_wait3A_260 = arith.constant 0 : i32
        %dma_wait3A_261 = arith.constant 0 : i32
        %dma_wait3A_262 = tpu.memref_slice %arg8[%dma_wait3A_260, %dma_wait3A_261] : memref<204800x128xf32, #tpu.memory_space<hbm>> -> memref<200x128xf32, #tpu.memory_space<hbm>>
        tpu.wait_dma2 semaphore(%arg21 : memref<!tpu.dma_semaphore, #tpu.memory_space<semaphore_mem>>) src(%arg13 : memref<200x128xf32, #tpu.memory_space<vmem>>) dst(%dma_wait3A_262 : memref<200x128xf32, #tpu.memory_space<hbm>>)
      } else {
      }
      %get3A_208 = arith.index_cast %add3A_182 : i32 to index
      %get3A_209 = arith.constant 0 : index
      %get3A_210 = tpu.vector_load %arg15[%get3A_208, %get3A_209] {strides = array<i32>} : memref<32x128xf32, #tpu.memory_space<vmem>>, vector<1x16xf32>,
      %get3A_211 = vector.shape_cast %get3A_210 : vector<1x16xf32> to vector<16xf32>
      %get3A_212 = arith.index_cast %add3A_182 : i32 to index
      %get3A_213 = arith.constant 16 : index
      %get3A_214 = tpu.vector_load %arg15[%get3A_212, %get3A_213] {strides = array<i32>} : memref<32x128xf32, #tpu.memory_space<vmem>>, vector<1x16xf32>,
      %get3A_215 = vector.shape_cast %get3A_214 : vector<1x16xf32> to vector<16xf32>
      %get3A_216 = arith.index_cast %add3A_182 : i32 to index
      %get3A_217 = arith.constant 32 : index
      %get3A_218 = tpu.vector_load %arg15[%get3A_216, %get3A_217] {strides = array<i32>} : memref<32x128xf32, #tpu.memory_space<vmem>>, vector<1x16xf32>,
      %get3A_219 = vector.shape_cast %get3A_218 : vector<1x16xf32> to vector<16xf32>
      %get3A_220 = arith.index_cast %add3A_182 : i32 to index
      %get3A_221 = arith.constant 48 : index
      %get3A_222 = tpu.vector_load %arg15[%get3A_220, %get3A_221] {strides = array<i32>} : memref<32x128xf32, #tpu.memory_space<vmem>>, vector<1x16xf32>,
      %get3A_223 = vector.shape_cast %get3A_222 : vector<1x16xf32> to vector<16xf32>
      %get3A_224 = arith.index_cast %add3A_182 : i32 to index
      %get3A_225 = arith.constant 64 : index
      %get3A_226 = tpu.vector_load %arg15[%get3A_224, %get3A_225] {strides = array<i32>} : memref<32x128xf32, #tpu.memory_space<vmem>>, vector<1x16xf32>,
      %get3A_227 = vector.shape_cast %get3A_226 : vector<1x16xf32> to vector<16xf32>
      %get3A_228 = arith.index_cast %add3A_182 : i32 to index
      %get3A_229 = arith.constant 80 : index
      %get3A_230 = tpu.vector_load %arg15[%get3A_228, %get3A_229] {strides = array<i32>} : memref<32x128xf32, #tpu.memory_space<vmem>>, vector<1x16xf32>,
      %get3A_231 = vector.shape_cast %get3A_230 : vector<1x16xf32> to vector<16xf32>
      %get3A_232 = arith.index_cast %add3A_182 : i32 to index
      %get3A_233 = arith.constant 96 : index
      %get3A_234 = tpu.vector_load %arg15[%get3A_232, %get3A_233] {strides = array<i32>} : memref<32x128xf32, #tpu.memory_space<vmem>>, vector<1x16xf32>,
      %get3A_235 = vector.shape_cast %get3A_234 : vector<1x16xf32> to vector<16xf32>
      %get3A_236 = arith.index_cast %add3A_182 : i32 to index
      %get3A_237 = arith.constant 112 : index
      %get3A_238 = tpu.vector_load %arg15[%get3A_236, %get3A_237] {strides = array<i32>} : memref<32x128xf32, #tpu.memory_space<vmem>>, vector<1x16xf32>,
      %get3A_239 = vector.shape_cast %get3A_238 : vector<1x16xf32> to vector<16xf32>
      %parallel_loop3A_240 = arith.constant 0 : i32
      %parallel_loop3A_241 = arith.constant 200 : i32
      %parallel_loop3A_242 = arith.constant 1 : i32
      scf.for %parallel_loop3A_257 = %parallel_loop3A_240 to %parallel_loop3A_241 step %parallel_loop3A_242  : i32 {
        %parallel_loop3A_258 = arith.index_cast %parallel_loop3A_257 : i32 to index
        %parallel_loop3A_259 = arith.constant 0 : index
        %parallel_loop3A_260 = tpu.vector_load %arg11[%parallel_loop3A_258, %parallel_loop3A_259] {strides = array<i32>} : memref<200x128xf32, #tpu.memory_space<vmem>>, vector<1x16xf32>,
        %parallel_loop3A_261 = vector.shape_cast %parallel_loop3A_260 : vector<1x16xf32> to vector<16xf32>
        %parallel_loop3A_262 = arith.addf %parallel_loop3A_261, %get3A_211 : vector<16xf32>
        %parallel_loop3A_263 = arith.index_cast %parallel_loop3A_257 : i32 to index
        %parallel_loop3A_264 = arith.constant 16 : index
        %parallel_loop3A_265 = tpu.vector_load %arg11[%parallel_loop3A_263, %parallel_loop3A_264] {strides = array<i32>} : memref<200x128xf32, #tpu.memory_space<vmem>>, vector<1x16xf32>,
        %parallel_loop3A_266 = vector.shape_cast %parallel_loop3A_265 : vector<1x16xf32> to vector<16xf32>
        %parallel_loop3A_267 = arith.addf %parallel_loop3A_266, %get3A_215 : vector<16xf32>
        %parallel_loop3A_268 = arith.index_cast %parallel_loop3A_257 : i32 to index
        %parallel_loop3A_269 = arith.constant 32 : index
        %parallel_loop3A_270 = tpu.vector_load %arg11[%parallel_loop3A_268, %parallel_loop3A_269] {strides = array<i32>} : memref<200x128xf32, #tpu.memory_space<vmem>>, vector<1x16xf32>,
        %parallel_loop3A_271 = vector.shape_cast %parallel_loop3A_270 : vector<1x16xf32> to vector<16xf32>
        %parallel_loop3A_272 = arith.addf %parallel_loop3A_271, %get3A_219 : vector<16xf32>
        %parallel_loop3A_273 = arith.index_cast %parallel_loop3A_257 : i32 to index
        %parallel_loop3A_274 = arith.constant 48 : index
        %parallel_loop3A_275 = tpu.vector_load %arg11[%parallel_loop3A_273, %parallel_loop3A_274] {strides = array<i32>} : memref<200x128xf32, #tpu.memory_space<vmem>>, vector<1x16xf32>,
        %parallel_loop3A_276 = vector.shape_cast %parallel_loop3A_275 : vector<1x16xf32> to vector<16xf32>
        %parallel_loop3A_277 = arith.addf %parallel_loop3A_276, %get3A_223 : vector<16xf32>
        %parallel_loop3A_278 = arith.index_cast %parallel_loop3A_257 : i32 to index
        %parallel_loop3A_279 = arith.constant 64 : index
        %parallel_loop3A_280 = tpu.vector_load %arg11[%parallel_loop3A_278, %parallel_loop3A_279] {strides = array<i32>} : memref<200x128xf32, #tpu.memory_space<vmem>>, vector<1x16xf32>,
        %parallel_loop3A_281 = vector.shape_cast %parallel_loop3A_280 : vector<1x16xf32> to vector<16xf32>
        %parallel_loop3A_282 = arith.addf %parallel_loop3A_281, %get3A_227 : vector<16xf32>
        %parallel_loop3A_283 = arith.index_cast %parallel_loop3A_257 : i32 to index
        %parallel_loop3A_284 = arith.constant 80 : index
        %parallel_loop3A_285 = tpu.vector_load %arg11[%parallel_loop3A_283, %parallel_loop3A_284] {strides = array<i32>} : memref<200x128xf32, #tpu.memory_space<vmem>>, vector<1x16xf32>,
        %parallel_loop3A_286 = vector.shape_cast %parallel_loop3A_285 : vector<1x16xf32> to vector<16xf32>
        %parallel_loop3A_287 = arith.addf %parallel_loop3A_286, %get3A_231 : vector<16xf32>
        %parallel_loop3A_288 = arith.index_cast %parallel_loop3A_257 : i32 to index
        %parallel_loop3A_289 = arith.constant 96 : index
        %parallel_loop3A_290 = tpu.vector_load %arg11[%parallel_loop3A_288, %parallel_loop3A_289] {strides = array<i32>} : memref<200x128xf32, #tpu.memory_space<vmem>>, vector<1x16xf32>,
        %parallel_loop3A_291 = vector.shape_cast %parallel_loop3A_290 : vector<1x16xf32> to vector<16xf32>
        %parallel_loop3A_292 = arith.addf %parallel_loop3A_291, %get3A_235 : vector<16xf32>
        %parallel_loop3A_293 = arith.index_cast %parallel_loop3A_257 : i32 to index
        %parallel_loop3A_294 = arith.constant 112 : index
        %parallel_loop3A_295 = tpu.vector_load %arg11[%parallel_loop3A_293, %parallel_loop3A_294] {strides = array<i32>} : memref<200x128xf32, #tpu.memory_space<vmem>>, vector<1x16xf32>,
        %parallel_loop3A_296 = vector.shape_cast %parallel_loop3A_295 : vector<1x16xf32> to vector<16xf32>
        %parallel_loop3A_297 = arith.addf %parallel_loop3A_296, %get3A_239 : vector<16xf32>
        %parallel_loop3A_298 = arith.addf %parallel_loop3A_262, %parallel_loop3A_267 : vector<16xf32>
        %parallel_loop3A_299 = arith.addf %parallel_loop3A_272, %parallel_loop3A_277 : vector<16xf32>
        %parallel_loop3A_300 = arith.addf %parallel_loop3A_282, %parallel_loop3A_287 : vector<16xf32>
        %parallel_loop3A_301 = arith.addf %parallel_loop3A_292, %parallel_loop3A_297 : vector<16xf32>
        %parallel_loop3A_302 = arith.addf %parallel_loop3A_298, %parallel_loop3A_299 : vector<16xf32>
        %parallel_loop3A_303 = arith.addf %parallel_loop3A_300, %parallel_loop3A_301 : vector<16xf32>
        %parallel_loop3A_304 = arith.addf %parallel_loop3A_302, %parallel_loop3A_303 : vector<16xf32>
        %parallel_loop3A_305 = arith.mulf %parallel_loop3A_262, %parallel_loop3A_262 : vector<16xf32>
        %parallel_loop3A_306 = arith.mulf %parallel_loop3A_267, %parallel_loop3A_267 : vector<16xf32>
        %parallel_loop3A_307 = arith.mulf %parallel_loop3A_272, %parallel_loop3A_272 : vector<16xf32>
        %parallel_loop3A_308 = arith.mulf %parallel_loop3A_277, %parallel_loop3A_277 : vector<16xf32>
        %parallel_loop3A_309 = arith.mulf %parallel_loop3A_282, %parallel_loop3A_282 : vector<16xf32>
        %parallel_loop3A_310 = arith.mulf %parallel_loop3A_287, %parallel_loop3A_287 : vector<16xf32>
        %parallel_loop3A_311 = arith.mulf %parallel_loop3A_292, %parallel_loop3A_292 : vector<16xf32>
        %parallel_loop3A_312 = arith.mulf %parallel_loop3A_297, %parallel_loop3A_297 : vector<16xf32>
        %parallel_loop3A_313 = arith.addf %parallel_loop3A_305, %parallel_loop3A_306 : vector<16xf32>
        %parallel_loop3A_314 = arith.addf %parallel_loop3A_307, %parallel_loop3A_308 : vector<16xf32>
        %parallel_loop3A_315 = arith.addf %parallel_loop3A_309, %parallel_loop3A_310 : vector<16xf32>
        %parallel_loop3A_316 = arith.addf %parallel_loop3A_311, %parallel_loop3A_312 : vector<16xf32>
        %parallel_loop3A_317 = arith.addf %parallel_loop3A_313, %parallel_loop3A_314 : vector<16xf32>
        %parallel_loop3A_318 = arith.addf %parallel_loop3A_315, %parallel_loop3A_316 : vector<16xf32>
        %parallel_loop3A_319 = arith.addf %parallel_loop3A_317, %parallel_loop3A_318 : vector<16xf32>
        %parallel_loop3A_320 = tpu.iota {dimensions = array<i32: 0>} : vector<16xi32>
        %parallel_loop3A_321 = arith.constant 1 : i32
        %parallel_loop3A_322 = vector.broadcast %parallel_loop3A_321 : i32 to vector<16xi32>
        %parallel_loop3A_323 = arith.xori %parallel_loop3A_320, %parallel_loop3A_322 : vector<16xi32>
        %parallel_loop3A_324 = arith.constant 0 : i32
        %parallel_loop3A_325 = vector.broadcast %parallel_loop3A_324 : i32 to vector<16xi32>
        %parallel_loop3A_326 = arith.cmpi slt, %parallel_loop3A_323, %parallel_loop3A_325 : vector<16xi32>
        %parallel_loop3A_327 = arith.constant 16 : i32
        %parallel_loop3A_328 = vector.broadcast %parallel_loop3A_327 : i32 to vector<16xi32>
        %parallel_loop3A_329 = arith.addi %parallel_loop3A_323, %parallel_loop3A_328 : vector<16xi32>
        %parallel_loop3A_330 = arith.select %parallel_loop3A_326, %parallel_loop3A_329, %parallel_loop3A_323 : vector<16xi1>, vector<16xi32>
        %parallel_loop3A_331 = vector.shape_cast %parallel_loop3A_330 : vector<16xi32> to vector<16x1xi32>
        %parallel_loop3A_332 = vector.shape_cast %parallel_loop3A_331 : vector<16x1xi32> to vector<16xi32>
        %parallel_loop3A_333 = tpu.dynamic_gather %parallel_loop3A_304[%parallel_loop3A_332] in [0] : vector<16xf32>, vector<16xi32> -> vector<16xf32>
        %parallel_loop3A_334 = arith.addf %parallel_loop3A_304, %parallel_loop3A_333 : vector<16xf32>
        %parallel_loop3A_335 = arith.constant 2 : i32
        %parallel_loop3A_336 = vector.broadcast %parallel_loop3A_335 : i32 to vector<16xi32>
        %parallel_loop3A_337 = arith.xori %parallel_loop3A_320, %parallel_loop3A_336 : vector<16xi32>
        %parallel_loop3A_338 = arith.constant 0 : i32
        %parallel_loop3A_339 = vector.broadcast %parallel_loop3A_338 : i32 to vector<16xi32>
        %parallel_loop3A_340 = arith.cmpi slt, %parallel_loop3A_337, %parallel_loop3A_339 : vector<16xi32>
        %parallel_loop3A_341 = arith.constant 16 : i32
        %parallel_loop3A_342 = vector.broadcast %parallel_loop3A_341 : i32 to vector<16xi32>
        %parallel_loop3A_343 = arith.addi %parallel_loop3A_337, %parallel_loop3A_342 : vector<16xi32>
        %parallel_loop3A_344 = arith.select %parallel_loop3A_340, %parallel_loop3A_343, %parallel_loop3A_337 : vector<16xi1>, vector<16xi32>
        %parallel_loop3A_345 = vector.shape_cast %parallel_loop3A_344 : vector<16xi32> to vector<16x1xi32>
        %parallel_loop3A_346 = vector.shape_cast %parallel_loop3A_345 : vector<16x1xi32> to vector<16xi32>
        %parallel_loop3A_347 = tpu.dynamic_gather %parallel_loop3A_334[%parallel_loop3A_346] in [0] : vector<16xf32>, vector<16xi32> -> vector<16xf32>
        %parallel_loop3A_348 = arith.addf %parallel_loop3A_334, %parallel_loop3A_347 : vector<16xf32>
        %parallel_loop3A_349 = arith.constant 4 : i32
        %parallel_loop3A_350 = vector.broadcast %parallel_loop3A_349 : i32 to vector<16xi32>
        %parallel_loop3A_351 = arith.xori %parallel_loop3A_320, %parallel_loop3A_350 : vector<16xi32>
        %parallel_loop3A_352 = arith.constant 0 : i32
        %parallel_loop3A_353 = vector.broadcast %parallel_loop3A_352 : i32 to vector<16xi32>
        %parallel_loop3A_354 = arith.cmpi slt, %parallel_loop3A_351, %parallel_loop3A_353 : vector<16xi32>
        %parallel_loop3A_355 = arith.constant 16 : i32
        %parallel_loop3A_356 = vector.broadcast %parallel_loop3A_355 : i32 to vector<16xi32>
        %parallel_loop3A_357 = arith.addi %parallel_loop3A_351, %parallel_loop3A_356 : vector<16xi32>
        %parallel_loop3A_358 = arith.select %parallel_loop3A_354, %parallel_loop3A_357, %parallel_loop3A_351 : vector<16xi1>, vector<16xi32>
        %parallel_loop3A_359 = vector.shape_cast %parallel_loop3A_358 : vector<16xi32> to vector<16x1xi32>
        %parallel_loop3A_360 = vector.shape_cast %parallel_loop3A_359 : vector<16x1xi32> to vector<16xi32>
        %parallel_loop3A_361 = tpu.dynamic_gather %parallel_loop3A_348[%parallel_loop3A_360] in [0] : vector<16xf32>, vector<16xi32> -> vector<16xf32>
        %parallel_loop3A_362 = arith.addf %parallel_loop3A_348, %parallel_loop3A_361 : vector<16xf32>
        %parallel_loop3A_363 = arith.constant 8 : i32
        %parallel_loop3A_364 = vector.broadcast %parallel_loop3A_363 : i32 to vector<16xi32>
        %parallel_loop3A_365 = arith.xori %parallel_loop3A_320, %parallel_loop3A_364 : vector<16xi32>
        %parallel_loop3A_366 = arith.constant 0 : i32
        %parallel_loop3A_367 = vector.broadcast %parallel_loop3A_366 : i32 to vector<16xi32>
        %parallel_loop3A_368 = arith.cmpi slt, %parallel_loop3A_365, %parallel_loop3A_367 : vector<16xi32>
        %parallel_loop3A_369 = arith.constant 16 : i32
        %parallel_loop3A_370 = vector.broadcast %parallel_loop3A_369 : i32 to vector<16xi32>
        %parallel_loop3A_371 = arith.addi %parallel_loop3A_365, %parallel_loop3A_370 : vector<16xi32>
        %parallel_loop3A_372 = arith.select %parallel_loop3A_368, %parallel_loop3A_371, %parallel_loop3A_365 : vector<16xi1>, vector<16xi32>
        %parallel_loop3A_373 = vector.shape_cast %parallel_loop3A_372 : vector<16xi32> to vector<16x1xi32>
        %parallel_loop3A_374 = vector.shape_cast %parallel_loop3A_373 : vector<16x1xi32> to vector<16xi32>
        %parallel_loop3A_375 = tpu.dynamic_gather %parallel_loop3A_362[%parallel_loop3A_374] in [0] : vector<16xf32>, vector<16xi32> -> vector<16xf32>
        %parallel_loop3A_376 = arith.addf %parallel_loop3A_362, %parallel_loop3A_375 : vector<16xf32>
        %parallel_loop3A_377 = arith.constant 7.812500e-03 : f32
        %parallel_loop3A_378 = vector.broadcast %parallel_loop3A_377 : f32 to vector<16xf32>
        %parallel_loop3A_379 = arith.mulf %parallel_loop3A_376, %parallel_loop3A_378 : vector<16xf32>
        %parallel_loop3A_380 = tpu.iota {dimensions = array<i32: 0>} : vector<16xi32>
        %parallel_loop3A_381 = arith.constant 1 : i32
        %parallel_loop3A_382 = vector.broadcast %parallel_loop3A_381 : i32 to vector<16xi32>
        %parallel_loop3A_383 = arith.xori %parallel_loop3A_380, %parallel_loop3A_382 : vector<16xi32>
        %parallel_loop3A_384 = arith.constant 0 : i32
        %parallel_loop3A_385 = vector.broadcast %parallel_loop3A_384 : i32 to vector<16xi32>
        %parallel_loop3A_386 = arith.cmpi slt, %parallel_loop3A_383, %parallel_loop3A_385 : vector<16xi32>
        %parallel_loop3A_387 = arith.constant 16 : i32
        %parallel_loop3A_388 = vector.broadcast %parallel_loop3A_387 : i32 to vector<16xi32>
        %parallel_loop3A_389 = arith.addi %parallel_loop3A_383, %parallel_loop3A_388 : vector<16xi32>
        %parallel_loop3A_390 = arith.select %parallel_loop3A_386, %parallel_loop3A_389, %parallel_loop3A_383 : vector<16xi1>, vector<16xi32>
        %parallel_loop3A_391 = vector.shape_cast %parallel_loop3A_390 : vector<16xi32> to vector<16x1xi32>
        %parallel_loop3A_392 = vector.shape_cast %parallel_loop3A_391 : vector<16x1xi32> to vector<16xi32>
        %parallel_loop3A_393 = tpu.dynamic_gather %parallel_loop3A_319[%parallel_loop3A_392] in [0] : vector<16xf32>, vector<16xi32> -> vector<16xf32>
        %parallel_loop3A_394 = arith.addf %parallel_loop3A_319, %parallel_loop3A_393 : vector<16xf32>
        %parallel_loop3A_395 = arith.constant 2 : i32
        %parallel_loop3A_396 = vector.broadcast %parallel_loop3A_395 : i32 to vector<16xi32>
        %parallel_loop3A_397 = arith.xori %parallel_loop3A_380, %parallel_loop3A_396 : vector<16xi32>
        %parallel_loop3A_398 = arith.constant 0 : i32
        %parallel_loop3A_399 = vector.broadcast %parallel_loop3A_398 : i32 to vector<16xi32>
        %parallel_loop3A_400 = arith.cmpi slt, %parallel_loop3A_397, %parallel_loop3A_399 : vector<16xi32>
        %parallel_loop3A_401 = arith.constant 16 : i32
        %parallel_loop3A_402 = vector.broadcast %parallel_loop3A_401 : i32 to vector<16xi32>
        %parallel_loop3A_403 = arith.addi %parallel_loop3A_397, %parallel_loop3A_402 : vector<16xi32>
        %parallel_loop3A_404 = arith.select %parallel_loop3A_400, %parallel_loop3A_403, %parallel_loop3A_397 : vector<16xi1>, vector<16xi32>
        %parallel_loop3A_405 = vector.shape_cast %parallel_loop3A_404 : vector<16xi32> to vector<16x1xi32>
        %parallel_loop3A_406 = vector.shape_cast %parallel_loop3A_405 : vector<16x1xi32> to vector<16xi32>
        %parallel_loop3A_407 = tpu.dynamic_gather %parallel_loop3A_394[%parallel_loop3A_406] in [0] : vector<16xf32>, vector<16xi32> -> vector<16xf32>
        %parallel_loop3A_408 = arith.addf %parallel_loop3A_394, %parallel_loop3A_407 : vector<16xf32>
        %parallel_loop3A_409 = arith.constant 4 : i32
        %parallel_loop3A_410 = vector.broadcast %parallel_loop3A_409 : i32 to vector<16xi32>
        %parallel_loop3A_411 = arith.xori %parallel_loop3A_380, %parallel_loop3A_410 : vector<16xi32>
        %parallel_loop3A_412 = arith.constant 0 : i32
        %parallel_loop3A_413 = vector.broadcast %parallel_loop3A_412 : i32 to vector<16xi32>
        %parallel_loop3A_414 = arith.cmpi slt, %parallel_loop3A_411, %parallel_loop3A_413 : vector<16xi32>
        %parallel_loop3A_415 = arith.constant 16 : i32
        %parallel_loop3A_416 = vector.broadcast %parallel_loop3A_415 : i32 to vector<16xi32>
        %parallel_loop3A_417 = arith.addi %parallel_loop3A_411, %parallel_loop3A_416 : vector<16xi32>
        %parallel_loop3A_418 = arith.select %parallel_loop3A_414, %parallel_loop3A_417, %parallel_loop3A_411 : vector<16xi1>, vector<16xi32>
        %parallel_loop3A_419 = vector.shape_cast %parallel_loop3A_418 : vector<16xi32> to vector<16x1xi32>
        %parallel_loop3A_420 = vector.shape_cast %parallel_loop3A_419 : vector<16x1xi32> to vector<16xi32>
        %parallel_loop3A_421 = tpu.dynamic_gather %parallel_loop3A_408[%parallel_loop3A_420] in [0] : vector<16xf32>, vector<16xi32> -> vector<16xf32>
        %parallel_loop3A_422 = arith.addf %parallel_loop3A_408, %parallel_loop3A_421 : vector<16xf32>
        %parallel_loop3A_423 = arith.constant 8 : i32
        %parallel_loop3A_424 = vector.broadcast %parallel_loop3A_423 : i32 to vector<16xi32>
        %parallel_loop3A_425 = arith.xori %parallel_loop3A_380, %parallel_loop3A_424 : vector<16xi32>
        %parallel_loop3A_426 = arith.constant 0 : i32
        %parallel_loop3A_427 = vector.broadcast %parallel_loop3A_426 : i32 to vector<16xi32>
        %parallel_loop3A_428 = arith.cmpi slt, %parallel_loop3A_425, %parallel_loop3A_427 : vector<16xi32>
        %parallel_loop3A_429 = arith.constant 16 : i32
        %parallel_loop3A_430 = vector.broadcast %parallel_loop3A_429 : i32 to vector<16xi32>
        %parallel_loop3A_431 = arith.addi %parallel_loop3A_425, %parallel_loop3A_430 : vector<16xi32>
        %parallel_loop3A_432 = arith.select %parallel_loop3A_428, %parallel_loop3A_431, %parallel_loop3A_425 : vector<16xi1>, vector<16xi32>
        %parallel_loop3A_433 = vector.shape_cast %parallel_loop3A_432 : vector<16xi32> to vector<16x1xi32>
        %parallel_loop3A_434 = vector.shape_cast %parallel_loop3A_433 : vector<16x1xi32> to vector<16xi32>
        %parallel_loop3A_435 = tpu.dynamic_gather %parallel_loop3A_422[%parallel_loop3A_434] in [0] : vector<16xf32>, vector<16xi32> -> vector<16xf32>
        %parallel_loop3A_436 = arith.addf %parallel_loop3A_422, %parallel_loop3A_435 : vector<16xf32>
        %parallel_loop3A_437 = arith.constant 7.812500e-03 : f32
        %parallel_loop3A_438 = vector.broadcast %parallel_loop3A_437 : f32 to vector<16xf32>
        %parallel_loop3A_439 = arith.mulf %parallel_loop3A_436, %parallel_loop3A_438 : vector<16xf32>
        %parallel_loop3A_440 = arith.mulf %parallel_loop3A_379, %parallel_loop3A_379 : vector<16xf32>
        %parallel_loop3A_441 = arith.subf %parallel_loop3A_439, %parallel_loop3A_440 : vector<16xf32>
        %parallel_loop3A_442 = arith.constant 9.99999996E-13 : f32
        %parallel_loop3A_443 = vector.broadcast %parallel_loop3A_442 : f32 to vector<16xf32>
        %parallel_loop3A_444 = arith.addf %parallel_loop3A_441, %parallel_loop3A_443 : vector<16xf32>
        %parallel_loop3A_445 = tpu.bitcast %parallel_loop3A_444 : vector<16xf32> -> vector<16xi32>
        %parallel_loop3A_446 = arith.constant 1 : i32
        %parallel_loop3A_447 = vector.broadcast %parallel_loop3A_446 : i32 to vector<16xi32>
        %parallel_loop3A_448 = arith.shrsi %parallel_loop3A_445, %parallel_loop3A_447 : vector<16xi32>
        %parallel_loop3A_449 = arith.constant 1597463007 : i32
        %parallel_loop3A_450 = vector.broadcast %parallel_loop3A_449 : i32 to vector<16xi32>
        %parallel_loop3A_451 = arith.subi %parallel_loop3A_450, %parallel_loop3A_448 : vector<16xi32>
        %parallel_loop3A_452 = tpu.bitcast %parallel_loop3A_451 : vector<16xi32> -> vector<16xf32>
        %parallel_loop3A_453 = arith.constant 5.000000e-01 : f32
        %parallel_loop3A_454 = vector.broadcast %parallel_loop3A_453 : f32 to vector<16xf32>
        %parallel_loop3A_455 = arith.mulf %parallel_loop3A_454, %parallel_loop3A_444 : vector<16xf32>
        %parallel_loop3A_456 = arith.mulf %parallel_loop3A_455, %parallel_loop3A_452 : vector<16xf32>
        %parallel_loop3A_457 = arith.mulf %parallel_loop3A_456, %parallel_loop3A_452 : vector<16xf32>
        %parallel_loop3A_458 = arith.constant 1.500000e+00 : f32
        %parallel_loop3A_459 = vector.broadcast %parallel_loop3A_458 : f32 to vector<16xf32>
        %parallel_loop3A_460 = arith.subf %parallel_loop3A_459, %parallel_loop3A_457 : vector<16xf32>
        %parallel_loop3A_461 = arith.mulf %parallel_loop3A_452, %parallel_loop3A_460 : vector<16xf32>
        %parallel_loop3A_462 = arith.mulf %parallel_loop3A_455, %parallel_loop3A_461 : vector<16xf32>
        %parallel_loop3A_463 = arith.mulf %parallel_loop3A_462, %parallel_loop3A_461 : vector<16xf32>
        %parallel_loop3A_464 = arith.constant 1.500000e+00 : f32
        %parallel_loop3A_465 = vector.broadcast %parallel_loop3A_464 : f32 to vector<16xf32>
        %parallel_loop3A_466 = arith.subf %parallel_loop3A_465, %parallel_loop3A_463 : vector<16xf32>
        %parallel_loop3A_467 = arith.mulf %parallel_loop3A_461, %parallel_loop3A_466 : vector<16xf32>
        %parallel_loop3A_468 = arith.subf %parallel_loop3A_262, %parallel_loop3A_379 : vector<16xf32>
        %parallel_loop3A_469 = arith.mulf %parallel_loop3A_467, %get3A_10 : vector<16xf32>
        %parallel_loop3A_470 = arith.mulf %parallel_loop3A_468, %parallel_loop3A_469 : vector<16xf32>
        %parallel_loop3A_471 = arith.addf %parallel_loop3A_470, %get3A_34 : vector<16xf32>
        %parallel_loop3A_472 = arith.index_cast %parallel_loop3A_257 : i32 to index
        %parallel_loop3A_473 = arith.constant 0 : index
        %parallel_loop3A_474 = tpu.vector_load %arg13[%parallel_loop3A_472, %parallel_loop3A_473] {strides = array<i32>} : memref<200x128xf32, #tpu.memory_space<vmem>>, vector<1x16xf32>,
        %parallel_loop3A_475 = vector.shape_cast %parallel_loop3A_474 : vector<1x16xf32> to vector<16xf32>
        %parallel_loop3A_476 = vector.shape_cast %parallel_loop3A_471 : vector<16xf32> to vector<1x16xf32>
        tpu.vector_store %arg13[%parallel_loop3A_472, %parallel_loop3A_473], %parallel_loop3A_476 {strides = array<i32>} : memref<200x128xf32, #tpu.memory_space<vmem>>, vector<1x16xf32>,
        %parallel_loop3A_477 = arith.subf %parallel_loop3A_267, %parallel_loop3A_379 : vector<16xf32>
        %parallel_loop3A_478 = arith.mulf %parallel_loop3A_467, %get3A_13 : vector<16xf32>
        %parallel_loop3A_479 = arith.mulf %parallel_loop3A_477, %parallel_loop3A_478 : vector<16xf32>
        %parallel_loop3A_480 = arith.addf %parallel_loop3A_479, %get3A_37 : vector<16xf32>
        %parallel_loop3A_481 = arith.index_cast %parallel_loop3A_257 : i32 to index
        %parallel_loop3A_482 = arith.constant 16 : index
        %parallel_loop3A_483 = tpu.vector_load %arg13[%parallel_loop3A_481, %parallel_loop3A_482] {strides = array<i32>} : memref<200x128xf32, #tpu.memory_space<vmem>>, vector<1x16xf32>,
        %parallel_loop3A_484 = vector.shape_cast %parallel_loop3A_483 : vector<1x16xf32> to vector<16xf32>
        %parallel_loop3A_485 = vector.shape_cast %parallel_loop3A_480 : vector<16xf32> to vector<1x16xf32>
        tpu.vector_store %arg13[%parallel_loop3A_481, %parallel_loop3A_482], %parallel_loop3A_485 {strides = array<i32>} : memref<200x128xf32, #tpu.memory_space<vmem>>, vector<1x16xf32>,
        %parallel_loop3A_486 = arith.subf %parallel_loop3A_272, %parallel_loop3A_379 : vector<16xf32>
        %parallel_loop3A_487 = arith.mulf %parallel_loop3A_467, %get3A_16 : vector<16xf32>
        %parallel_loop3A_488 = arith.mulf %parallel_loop3A_486, %parallel_loop3A_487 : vector<16xf32>
        %parallel_loop3A_489 = arith.addf %parallel_loop3A_488, %get3A_40 : vector<16xf32>
        %parallel_loop3A_490 = arith.index_cast %parallel_loop3A_257 : i32 to index
        %parallel_loop3A_491 = arith.constant 32 : index
        %parallel_loop3A_492 = tpu.vector_load %arg13[%parallel_loop3A_490, %parallel_loop3A_491] {strides = array<i32>} : memref<200x128xf32, #tpu.memory_space<vmem>>, vector<1x16xf32>,
        %parallel_loop3A_493 = vector.shape_cast %parallel_loop3A_492 : vector<1x16xf32> to vector<16xf32>
        %parallel_loop3A_494 = vector.shape_cast %parallel_loop3A_489 : vector<16xf32> to vector<1x16xf32>
        tpu.vector_store %arg13[%parallel_loop3A_490, %parallel_loop3A_491], %parallel_loop3A_494 {strides = array<i32>} : memref<200x128xf32, #tpu.memory_space<vmem>>, vector<1x16xf32>,
        %parallel_loop3A_495 = arith.subf %parallel_loop3A_277, %parallel_loop3A_379 : vector<16xf32>
        %parallel_loop3A_496 = arith.mulf %parallel_loop3A_467, %get3A_19 : vector<16xf32>
        %parallel_loop3A_497 = arith.mulf %parallel_loop3A_495, %parallel_loop3A_496 : vector<16xf32>
        %parallel_loop3A_498 = arith.addf %parallel_loop3A_497, %get3A_43 : vector<16xf32>
        %parallel_loop3A_499 = arith.index_cast %parallel_loop3A_257 : i32 to index
        %parallel_loop3A_500 = arith.constant 48 : index
        %parallel_loop3A_501 = tpu.vector_load %arg13[%parallel_loop3A_499, %parallel_loop3A_500] {strides = array<i32>} : memref<200x128xf32, #tpu.memory_space<vmem>>, vector<1x16xf32>,
        %parallel_loop3A_502 = vector.shape_cast %parallel_loop3A_501 : vector<1x16xf32> to vector<16xf32>
        %parallel_loop3A_503 = vector.shape_cast %parallel_loop3A_498 : vector<16xf32> to vector<1x16xf32>
        tpu.vector_store %arg13[%parallel_loop3A_499, %parallel_loop3A_500], %parallel_loop3A_503 {strides = array<i32>} : memref<200x128xf32, #tpu.memory_space<vmem>>, vector<1x16xf32>,
        %parallel_loop3A_504 = arith.subf %parallel_loop3A_282, %parallel_loop3A_379 : vector<16xf32>
        %parallel_loop3A_505 = arith.mulf %parallel_loop3A_467, %get3A_22 : vector<16xf32>
        %parallel_loop3A_506 = arith.mulf %parallel_loop3A_504, %parallel_loop3A_505 : vector<16xf32>
        %parallel_loop3A_507 = arith.addf %parallel_loop3A_506, %get3A_46 : vector<16xf32>
        %parallel_loop3A_508 = arith.index_cast %parallel_loop3A_257 : i32 to index
        %parallel_loop3A_509 = arith.constant 64 : index
        %parallel_loop3A_510 = tpu.vector_load %arg13[%parallel_loop3A_508, %parallel_loop3A_509] {strides = array<i32>} : memref<200x128xf32, #tpu.memory_space<vmem>>, vector<1x16xf32>,
        %parallel_loop3A_511 = vector.shape_cast %parallel_loop3A_510 : vector<1x16xf32> to vector<16xf32>
        %parallel_loop3A_512 = vector.shape_cast %parallel_loop3A_507 : vector<16xf32> to vector<1x16xf32>
        tpu.vector_store %arg13[%parallel_loop3A_508, %parallel_loop3A_509], %parallel_loop3A_512 {strides = array<i32>} : memref<200x128xf32, #tpu.memory_space<vmem>>, vector<1x16xf32>,
        %parallel_loop3A_513 = arith.subf %parallel_loop3A_287, %parallel_loop3A_379 : vector<16xf32>
        %parallel_loop3A_514 = arith.mulf %parallel_loop3A_467, %get3A_25 : vector<16xf32>
        %parallel_loop3A_515 = arith.mulf %parallel_loop3A_513, %parallel_loop3A_514 : vector<16xf32>
        %parallel_loop3A_516 = arith.addf %parallel_loop3A_515, %get3A_49 : vector<16xf32>
        %parallel_loop3A_517 = arith.index_cast %parallel_loop3A_257 : i32 to index
        %parallel_loop3A_518 = arith.constant 80 : index
        %parallel_loop3A_519 = tpu.vector_load %arg13[%parallel_loop3A_517, %parallel_loop3A_518] {strides = array<i32>} : memref<200x128xf32, #tpu.memory_space<vmem>>, vector<1x16xf32>,
        %parallel_loop3A_520 = vector.shape_cast %parallel_loop3A_519 : vector<1x16xf32> to vector<16xf32>
        %parallel_loop3A_521 = vector.shape_cast %parallel_loop3A_516 : vector<16xf32> to vector<1x16xf32>
        tpu.vector_store %arg13[%parallel_loop3A_517, %parallel_loop3A_518], %parallel_loop3A_521 {strides = array<i32>} : memref<200x128xf32, #tpu.memory_space<vmem>>, vector<1x16xf32>,
        %parallel_loop3A_522 = arith.subf %parallel_loop3A_292, %parallel_loop3A_379 : vector<16xf32>
        %parallel_loop3A_523 = arith.mulf %parallel_loop3A_467, %get3A_28 : vector<16xf32>
        %parallel_loop3A_524 = arith.mulf %parallel_loop3A_522, %parallel_loop3A_523 : vector<16xf32>
        %parallel_loop3A_525 = arith.addf %parallel_loop3A_524, %get3A_52 : vector<16xf32>
        %parallel_loop3A_526 = arith.index_cast %parallel_loop3A_257 : i32 to index
        %parallel_loop3A_527 = arith.constant 96 : index
        %parallel_loop3A_528 = tpu.vector_load %arg13[%parallel_loop3A_526, %parallel_loop3A_527] {strides = array<i32>} : memref<200x128xf32, #tpu.memory_space<vmem>>, vector<1x16xf32>,
        %parallel_loop3A_529 = vector.shape_cast %parallel_loop3A_528 : vector<1x16xf32> to vector<16xf32>
        %parallel_loop3A_530 = vector.shape_cast %parallel_loop3A_525 : vector<16xf32> to vector<1x16xf32>
        tpu.vector_store %arg13[%parallel_loop3A_526, %parallel_loop3A_527], %parallel_loop3A_530 {strides = array<i32>} : memref<200x128xf32, #tpu.memory_space<vmem>>, vector<1x16xf32>,
        %parallel_loop3A_531 = arith.subf %parallel_loop3A_297, %parallel_loop3A_379 : vector<16xf32>
        %parallel_loop3A_532 = arith.mulf %parallel_loop3A_467, %get3A_31 : vector<16xf32>
        %parallel_loop3A_533 = arith.mulf %parallel_loop3A_531, %parallel_loop3A_532 : vector<16xf32>
        %parallel_loop3A_534 = arith.addf %parallel_loop3A_533, %get3A_55 : vector<16xf32>
        %parallel_loop3A_535 = arith.index_cast %parallel_loop3A_257 : i32 to index
        %parallel_loop3A_536 = arith.constant 112 : index
        %parallel_loop3A_537 = tpu.vector_load %arg13[%parallel_loop3A_535, %parallel_loop3A_536] {strides = array<i32>} : memref<200x128xf32, #tpu.memory_space<vmem>>, vector<1x16xf32>,
        %parallel_loop3A_538 = vector.shape_cast %parallel_loop3A_537 : vector<1x16xf32> to vector<16xf32>
        %parallel_loop3A_539 = vector.shape_cast %parallel_loop3A_534 : vector<16xf32> to vector<1x16xf32>
        tpu.vector_store %arg13[%parallel_loop3A_535, %parallel_loop3A_536], %parallel_loop3A_539 {strides = array<i32>} : memref<200x128xf32, #tpu.memory_space<vmem>>, vector<1x16xf32>,
      } {sc.loop_unroll_factor = 4 : i64, sc.parallel_access}
      %add3A_243 = arith.addi %mul3A_2, %add3A_182 : i32
      %mul3A_244 = arith.constant 200 : i32
      %mul3A_245 = arith.muli %add3A_243, %mul3A_244 : i32
      %dma_start3A_246 = arith.constant 0 : i32
      %dma_start3A_247 = tpu.memref_slice %arg8[%mul3A_245, %dma_start3A_246] : memref<204800x128xf32, #tpu.memory_space<hbm>> -> memref<200x128xf32, #tpu.memory_space<hbm>>
      %dma_start3A_248 = arith.constant 0 : i32
      %dma_start3A_249 = tpu.memref_slice %arg8[%mul3A_245, %dma_start3A_248] : memref<204800x128xf32, #tpu.memory_space<hbm>> -> memref<200x128xf32, #tpu.memory_space<hbm>>
      tpu.enqueue_dma source(%arg13 : memref<200x128xf32, #tpu.memory_space<vmem>>) target(%dma_start3A_249 : memref<200x128xf32, #tpu.memory_space<hbm>>) target_semaphore(%arg21 : memref<!tpu.dma_semaphore, #tpu.memory_space<semaphore_mem>>)
      %add3A_250 = arith.constant 2 : i32
      %add3A_251 = arith.addi %add3A_182, %add3A_250 : i32
      %lt3A_252 = arith.constant 32 : i32
      %lt3A_253 = arith.cmpi slt, %add3A_251, %lt3A_252 : i32
      %convert_element_type3A_254 = arith.extui %lt3A_253 : i1 to i32
      %cond3A_255 = arith.constant 0 : i32
      %cond3A_256 = arith.cmpi ne, %convert_element_type3A_254, %cond3A_255 : i32
      scf.if %cond3A_256 {
        %add3A_257 = arith.constant 2 : i32
        %add3A_258 = arith.addi %add3A_182, %add3A_257 : i32
        %mul3A_259 = arith.constant 200 : i32
        %mul3A_260 = arith.muli %add3A_258, %mul3A_259 : i32
        %mul3A_261 = arith.constant 200 : i32
        %mul3A_262 = arith.muli %add3A_258, %mul3A_261 : i32
        %add3A_263 = arith.constant 104 : i32
        %add3A_264 = arith.addi %mul3A_262, %add3A_263 : i32
        %dma_start3A_265 = arith.constant 0 : i32
        %dma_start3A_266 = arith.constant 0 : i32
        %dma_start3A_267 = tpu.memref_slice %arg11[%dma_start3A_265, %dma_start3A_266] : memref<200x128xf32, #tpu.memory_space<vmem>> -> memref<104x128xf32, #tpu.memory_space<vmem>>
        %dma_start3A_268 = tpu.memref_slice %arg9[%mul3A_260] : memref<6400xi32, #tpu.memory_space<vmem>> -> memref<104xi32, #tpu.memory_space<vmem>>
        %dma_start3A_269 = arith.constant 0 : i32
        %dma_start3A_270 = arith.constant 0 : i32
        %dma_start3A_271 = tpu.memref_slice %arg4[%dma_start3A_269, %dma_start3A_270] : memref<1000x128xf32, #tpu.memory_space<hbm>> -> memref<1000x128xf32, #tpu.memory_space<hbm>>
        tpu.enqueue_indirect_dma source(%dma_start3A_271 : memref<1000x128xf32, #tpu.memory_space<hbm>>) target(%dma_start3A_267 : memref<104x128xf32, #tpu.memory_space<vmem>>) offsets(%dma_start3A_268 : memref<104xi32, #tpu.memory_space<vmem>>) semaphore(%arg19 : memref<!tpu.dma_semaphore, #tpu.memory_space<semaphore_mem>>)
        %dma_start3A_272 = arith.constant 104 : i32
        %dma_start3A_273 = arith.constant 0 : i32
        %dma_start3A_274 = tpu.memref_slice %arg11[%dma_start3A_272, %dma_start3A_273] : memref<200x128xf32, #tpu.memory_space<vmem>> -> memref<96x128xf32, #tpu.memory_space<vmem>>
        %dma_start3A_275 = tpu.memref_slice %arg9[%add3A_264] : memref<6400xi32, #tpu.memory_space<vmem>> -> memref<96xi32, #tpu.memory_space<vmem>>
        %dma_start3A_276 = arith.constant 0 : i32
        %dma_start3A_277 = arith.constant 0 : i32
        %dma_start3A_278 = tpu.memref_slice %arg4[%dma_start3A_276, %dma_start3A_277] : memref<1000x128xf32, #tpu.memory_space<hbm>> -> memref<1000x128xf32, #tpu.memory_space<hbm>>
        tpu.enqueue_indirect_dma source(%dma_start3A_278 : memref<1000x128xf32, #tpu.memory_space<hbm>>) target(%dma_start3A_274 : memref<96x128xf32, #tpu.memory_space<vmem>>) offsets(%dma_start3A_275 : memref<96xi32, #tpu.memory_space<vmem>>) semaphore(%arg19 : memref<!tpu.dma_semaphore, #tpu.memory_space<semaphore_mem>>)
      } else {
      }
    }
    %scan3A_92 = arith.constant 16 : i32
    %dma_wait3A_93 = arith.constant 0 : i32
    %dma_wait3A_94 = arith.constant 0 : i32
    %dma_wait3A_95 = tpu.memref_slice %arg8[%dma_wait3A_93, %dma_wait3A_94] : memref<204800x128xf32, #tpu.memory_space<hbm>> -> memref<200x128xf32, #tpu.memory_space<hbm>>
    %dma_wait3A_96 = arith.constant 0 : i32
    %dma_wait3A_97 = arith.constant 0 : i32
    %dma_wait3A_98 = tpu.memref_slice %arg8[%dma_wait3A_96, %dma_wait3A_97] : memref<204800x128xf32, #tpu.memory_space<hbm>> -> memref<200x128xf32, #tpu.memory_space<hbm>>
    tpu.wait_dma2 semaphore(%arg20 : memref<!tpu.dma_semaphore, #tpu.memory_space<semaphore_mem>>) src(%arg12 : memref<200x128xf32, #tpu.memory_space<vmem>>) dst(%dma_wait3A_98 : memref<200x128xf32, #tpu.memory_space<hbm>>)
    %dma_wait3A_99 = arith.constant 0 : i32
    %dma_wait3A_100 = arith.constant 0 : i32
    %dma_wait3A_101 = tpu.memref_slice %arg8[%dma_wait3A_99, %dma_wait3A_100] : memref<204800x128xf32, #tpu.memory_space<hbm>> -> memref<200x128xf32, #tpu.memory_space<hbm>>
    %dma_wait3A_102 = arith.constant 0 : i32
    %dma_wait3A_103 = arith.constant 0 : i32
    %dma_wait3A_104 = tpu.memref_slice %arg8[%dma_wait3A_102, %dma_wait3A_103] : memref<204800x128xf32, #tpu.memory_space<hbm>> -> memref<200x128xf32, #tpu.memory_space<hbm>>
    tpu.wait_dma2 semaphore(%arg21 : memref<!tpu.dma_semaphore, #tpu.memory_space<semaphore_mem>>) src(%arg13 : memref<200x128xf32, #tpu.memory_space<vmem>>) dst(%dma_wait3A_104 : memref<200x128xf32, #tpu.memory_space<hbm>>)
    return
  }
}

</mosaic_0001>

<sc_bundles>
// kernel: kernel.3.cloned.1.call-start
scs
__scs_entry_jumppad:
0x0: {  	(pc) =	sbr.rel $0x88, $3  }
0x1: {  	(tag) =	ssettag $0x0;
	lr =	simm.s32 $0x1  }
0x2: {  	[smem:$0x3F9B] =	sst lr;
	_ =	strace $0xD0000000  }
0x3: {  	_ = 	snop  }
0x4: {  	_ = 	snop  }
0x5: {  	_ = 	snop  }
0x6: {  	_ = 	snop  }
0x7: {  	_ = 	snop  }
__scs_overlays_trampoline_lowered:
0x8: {  	[smem:$0x3FAA] =	sst s0  }
0x9: {  	[smem:$0x3FAB] =	sst s1  }
0xa: {  	[smem:$0x3FAC] =	sst s2  }
0xb: {  	[smem:$0x3FAD] =	sst s3  }
0xc: {  	[smem:$0x3FAE] =	sst s4  }
0xd: {  	[smem:$0x3FAF] =	sst s5  }
0xe: {  	[smem:$0x3FB0] =	sst s6  }
0xf: {  	[smem:$0x3FB1] =	sst s7  }
0x10: {  	[smem:$0x3FB2] =	sst s8  }
0x11: {  	[smem:$0x3FB3] =	sst s9;
	s0 =	simm.s32 @!p0 $0x0  }
0x12: {  	s1 =	sld [smem:$0x3F99];
	s0 =	simm.s32 @p0 $0x1  }
0x13: {  	[smem:$0x3FB4] =	sst s0;
	s0 =	simm.s32 @!p1 $0x0  }
0x14: {  	s2 =	sld [smem:$0x3F98];
	s0 =	simm.s32 @p1 $0x1  }
0x15: {  	[smem:$0x3FB5] =	sst s0;
	s0 =	simm.s32 @!p2 $0x0  }
0x16: {  	s3 =	sld [smem:$0x3FDB];
	s0 =	simm.s32 @p2 $0x1  }
0x17: {  	s4 =	simm.s32 $0x1BF5;
	[smem:$0x3FB7] =	sst s0  }
0x18: {  	s0 =	sld [smem:$0x3F9A];
	_ =	swait.ge [sflag:s4], $0x0  }
0x19: {  	s7 =	sld [smem:$0x3F9B]  }
0x1a: {  	s8 =	sadd.s32 $0xFFFFE003, lr  }
0x1b: {  	s9 =	sadd.s32 $0xFFFFFEF7, lr;
	s5 =	simm.s32 $0xFFFFFFFF;
	p2 =	slt.u32 s8, $0xFFFFF086  }
0x1c: {  	p1 =	slt.u32 s9, $0xF7A;
	s5 =	simm.s32 @!p2 $0x0  }
0x1d: {  	s5 =	simm.s32 @p1 $0x1;
	p0 =	seq.s32 s7, s2  }
0x1e: {  	s7 =	smul.u32 @!p0 $0xF7A, s2;
	p2 =	seq.s32 @!p0 s5, $0x0  }
0x1f: {  	s9 =	smul.u32 $0xF7A, s1;
	s8 =	simm.s32 @!p0 $0x1BF5;
	p2 =	por !p2, p0  }
0x20: {  	[sflag:s8] =	ssyncset.s32 @!p0 $0xFFFFF086;
	s6 =	sadd.s32 @!p0 s3, s7;
	s7 =	simm.s32 @!p0 $0x108  }
0x21: {  	s3 =	sadd.s32 s3, s9;
	s6 =	sadd.s32 @!p0 $0x88, s6;
	s7 =	simm.s32 @p2 $0x1082  }
0x22: {  	[simem:s7], [sflag:s8] =	dma.local @!p0 [hbm:s6], $0xF7A  }
0x23: {  	s9 =	sor.u32 $0xD0000000, s2;
	s6 =	simm.s32 $0x108;
	_ =	swait.ge @!p0 [sflag:s8], $0x0  }
0x24: {  	s3 =	sadd.s32 $0x88, s3;
	s6 =	simm.s32 @!p1 $0x1082;
	[sflag:s4] =	ssyncset.s32 $0xFFFFF086  }
0x25: {  	[simem:s6], [sflag:s4] =	dma.local [hbm:s3], $0xF7A  }
0x26: {  	[smem:$0x3F9B] =	sst s1;
	(tag) =	ssettag s2;
	_ =	strace s9  }
0x27: {  	s1 =	sld [smem:$0x3FAB]  }
0x28: {  	s2 =	sld [smem:$0x3FAC]  }
0x29: {  	s4 =	sld [smem:$0x3FAE]  }
0x2a: {  	p0 =	seq.s32 s5, $0x0;
	s5 =	sld [smem:$0x3FAF]  }
0x2b: {  	s6 =	sld [smem:$0x3FB0]  }
0x2c: {  	s7 =	sld [smem:$0x3FB1]  }
0x2d: {  	s3 =	simm.s32 $0x108;
	s8 =	sld [smem:$0x3FB2]  }
0x2e: {  	s3 =	simm.s32 @!p0 $0x1082;
	s9 =	sld [smem:$0x3FB3]  }
0x2f: {  	lr =	sadd.s32 s0, s3;
	s0 =	sld [smem:$0x3FAA]  }
0x30: {  	s3 =	sld [smem:$0x3FAD]  }
0x31: {  	[smem:$0x3FB6] =	sst s10  }
0x32: {  	s10 =	sld [smem:$0x3FB4];
	_ =	sdelay $0x3  }
0x33: {  	p0 =	seq.s32 s10, $0x1;
	s10 =	sld [smem:$0x3FB6];
	_ =	sdelay $0x3  }
0x34: {  	[smem:$0x3FB6] =	sst s10  }
0x35: {  	s10 =	sld [smem:$0x3FB5];
	_ =	sdelay $0x3  }
0x36: {  	p1 =	seq.s32 s10, $0x1;
	s10 =	sld [smem:$0x3FB6];
	_ =	sdelay $0x3  }
0x37: {  	[smem:$0x3FB6] =	sst s10  }
0x38: {  	s10 =	sld [smem:$0x3FB7]  }
0x39: {  	_ = 	snop;
	(pc) =	sbr.ind lr, $3  }
0x3a: {  	_ = 	snop  }
0x3b: {  	_ = 	snop  }
0x3c: {  	p2 =	seq.s32 s10, $0x1;
	s10 =	sld [smem:$0x3FB6]  }
0x3d: {  	_ =	shalt  }
0x3e: {  	_ =	shalt  }
0x3f: {  	_ =	shalt  }
0x40: {  	_ =	shalt  }
0x41: {  	_ =	shalt  }
0x42: {  	_ =	shalt  }
0x43: {  	_ =	shalt  }
0x44: {  	_ =	shalt  }
0x45: {  	_ =	shalt  }
0x46: {  	_ =	shalt  }
0x47: {  	_ =	shalt  }
0x48: {  	_ =	shalt  }
0x49: {  	_ =	shalt  }
0x4a: {  	_ =	shalt  }
0x4b: {  	_ =	shalt  }
0x4c: {  	_ =	shalt  }
0x4d: {  	_ =	shalt  }
0x4e: {  	_ =	shalt  }
0x4f: {  	_ =	shalt  }
0x50: {  	_ =	shalt  }
0x51: {  	_ =	shalt  }
0x52: {  	_ =	shalt  }
0x53: {  	_ =	shalt  }
0x54: {  	_ =	shalt  }
0x55: {  	_ =	shalt  }
0x56: {  	_ =	shalt  }
0x57: {  	_ =	shalt  }
0x58: {  	_ =	shalt  }
0x59: {  	_ =	shalt  }
0x5a: {  	_ =	shalt  }
0x5b: {  	_ =	shalt  }
0x5c: {  	_ =	shalt  }
0x5d: {  	_ =	shalt  }
0x5e: {  	_ =	shalt  }
0x5f: {  	_ =	shalt  }
0x60: {  	_ =	shalt  }
0x61: {  	_ =	shalt  }
0x62: {  	_ =	shalt  }
0x63: {  	_ =	shalt  }
0x64: {  	_ =	shalt  }
0x65: {  	_ =	shalt  }
0x66: {  	_ =	shalt  }
0x67: {  	_ =	shalt  }
0x68: {  	_ =	shalt  }
0x69: {  	_ =	shalt  }
0x6a: {  	_ =	shalt  }
0x6b: {  	_ =	shalt  }
0x6c: {  	_ =	shalt  }
0x6d: {  	_ =	shalt  }
0x6e: {  	_ =	shalt  }
0x6f: {  	_ =	shalt  }
0x70: {  	_ =	shalt  }
0x71: {  	_ =	shalt  }
0x72: {  	_ =	shalt  }
0x73: {  	_ =	shalt  }
0x74: {  	_ =	shalt  }
0x75: {  	_ =	shalt  }
0x76: {  	_ =	shalt  }
0x77: {  	_ =	shalt  }
0x78: {  	_ =	shalt  }
0x79: {  	_ =	shalt  }
0x7a: {  	_ =	shalt  }
0x7b: {  	_ =	shalt  }
0x7c: {  	_ =	shalt  }
0x7d: {  	_ =	shalt  }
0x7e: {  	_ =	shalt  }
0x7f: {  	_ =	shalt  }
0x80: {  	_ =	shalt  }
0x81: {  	_ =	shalt  }
0x82: {  	_ =	shalt  }
0x83: {  	_ =	shalt  }
0x84: {  	_ =	shalt  }
0x85: {  	_ =	shalt  }
0x86: {  	_ =	shalt  }
0x87: {  	_ =	shalt  }
.Lfunc_end0:
.L_simem_size_0:
called_computation_lowered:
.L_overlay_start_0:
0x88: {  	s2 =	sld [smem:$0x3FD9]  }
0x89: {  	s3 =	sld [smem:$0x3FFE];
	_ =	sdelay $0x1  }
0x8a: {  	s1 =	srdreg.scid  }
0x8b: {  	s0 =	sand.u32 $0x1, s1  }
0x8c: {  	s17 =	sshll.u32 s0, $0xA;
	s2 =	sadd.s32 s3, s2  }
0x8d: {  	s2 =	sadd.s32 s2, s17  }
0x8e: {  	[smem:$0x3FC2] =	sst s2  }
0x8f: {  	_ = 	snop  }
0x90: {  	s2 =	sld [smem:$0x3FC8]  }
0x91: {  	s18 =	sld [smem:$0x3FC7]  }
0x92: {  	s4 =	sld [smem:$0x3FC6]  }
0x93: {  	s5 =	sld [smem:$0x3FC5]  }
0x94: {  	s6 =	sld [smem:$0x3FC4]  }
0x95: {  	s7 =	sld [smem:$0x3FD0];
	(tm) =	ssettm $0x1  }
0x96: {  	s8 =	sld [smem:$0x3FFB];
	_ =	sdelay $0x3  }
0x97: {  	_ =	strace s8  }
0x98: {  	s8 =	sld [smem:$0x3FFC];
	_ =	sdelay $0x3  }
0x99: {  	_ =	strace s8  }
0x9a: {  	s8 =	sld [smem:$0x3FFD];
	_ =	sdelay $0x3  }
0x9b: {  	_ =	strace s8  }
0x9c: {  	_ =	strace $0x8FFFFFFF  }
0x9d: {  	s19 =	sld [smem:$0x3FDB];
	_ =	sdelay $0x1  }
0x9e: {  	s9 =	simm.s32 $_scs_section_size  }
0x9f: {  	s10 =	simm.s32 $_size__tile_overlayer_lowered;
	s11 =	simm.s32 $_tile_overlayer_lowered  }
0xa0: {  	s22 =	simm.s32 $0x1BFF;
	s21 =	sshll.u32 s11, $0x1;
	s8 =	sadd.s32 s9, s19  }
0xa1: {  	s12 =	simm.s32 $0x0;
	s20 =	sshll.u32 s10, $0x1;
	s10 =	sadd.s32 s21, s8  }
0xa2: {  	[timem:s12], [sflag:s22] =	dma.local [hbm:s10], s20  }
0xa3: {  	_ =	swait.ge [sflag:s22], s20  }
0xa4: {  	s9 =	ssub.s32 $0x0, s20;
	[sflag:s22] =	ssyncset.done $0x0  }
0xa5: {  	[sflag:s22] =	ssyncadd.s32 s9;
	_ =	sdelay $0x1  }
0xa6: {  	s23 =	simm.s32 $0x1B8B  }
0xa7: {  	_ =	swait.ge [sflag:s23], $0x1  }
0xa8: {  	[sflag:s23] =	ssyncset.done $0x0  }
0xa9: {  	s25 =	simm.s32 $0x1B8E;
	s24 =	sld [smem:$0x3FFE];
	[sflag:s23] =	ssyncadd.s32 $0xFFFFFFFF  }
0xaa: {  	s26 =	simm.s32 $execute0_lowered;
	[smem:$0x3FD2] =	sst s25  }
0xab: {  	s10 =	sshll.u32 s26, $0x1;
	_ =	strace $0x80000046;
	[dreg:$0x1] =	wrdreg $0xFFFFFFFF  }
0xac: {  	s28 =	simm.s32 $_size_execute0_lowered;
	s8 =	sadd.s32 s8, s10;
	[dreg:$0x0] =	wrdreg $0x0  }
0xad: {  	s10 =	sshll.u32 s28, $0x1;
	[dreg:$0x2] =	wrdreg s8  }
0xae: {  	[dreg:$0x3] =	wrdreg s10  }
0xaf: {  	[dreg:$0x4] =	wrdreg $0xC0  }
0xb0: {  	_ =	task [dreg:s12], $0x5FFFF  }
0xb1: {  	[dreg:$0x1] =	wrdreg $0xFFFFFFFF  }
0xb2: {  	[dreg:$0x0] =	wrdreg $0x60  }
0xb3: {  	[dreg:$0x2] =	wrdreg s24  }
0xb4: {  	[dreg:$0x3] =	wrdreg s2  }
0xb5: {  	[dreg:$0x4] =	wrdreg s18  }
0xb6: {  	[dreg:$0x5] =	wrdreg s4  }
0xb7: {  	[dreg:$0x6] =	wrdreg s5  }
0xb8: {  	[dreg:$0x7] =	wrdreg s6  }
0xb9: {  	[dreg:$0x8] =	wrdreg s7  }
0xba: {  	[dreg:$0x9] =	wrdreg $0x9  }
0xbb: {  	_ =	task.clear_ibuf [dreg:s12], $0xAFFFF;
	_ =	strace $0x90000046  }
0xbc: {  	s29 =	simm.s32 $0x9;
	_ =	strace $0x80000048  }
0xbd: {  	_ =	swait.ge [sflag:s29], $0x1  }
0xbe: {  	[sflag:s29] =	ssyncadd.s32 $0xFFFFFFFF  }
0xbf: {  	_ =	strace $0x90000048  }
0xc0: {  	_ =	sfence  }
0xc1: {  	s30 =	sld [smem:$0x0];
	_ =	sdelay $0x2  }
0xc2: {  	s31 =	sshll.u32 s1, $0xD;
	s1 =	sshrl.u32 s1, $0x2  }
0xc3: {  	s3 =	sand.u32 $0x4000, s31;
	s1 =	sadd.s32 s1, s30  }
0xc4: {  	s0 =	sor.u32 s3, s0;
	s1 =	sshll.u32 s1, $0x11  }
0xc5: {  	s0 =	sor.u32 s1, s0  }
0xc6: {  	s0 =	sadd.s32 $0x8F2B, s0  }
0xc7: {  	[sflag:s0] =	ssyncadd.remote.s32 $0x1  }
0xc8: {  	_ =	sfence.sel $0xFFFF  }
0xc9: {  	[dreg:$0x0] =	wrdreg $0xFFFFFFFF;
	(pc) =	sbr.abs _section_cstart, $3  }
0xca: {  	[dreg:$0x1] =	wrdreg $0xFFFFFFFF  }
0xcb: {  	_ =	task.clear_ibuf [dreg:s12], $0x2FFFF;
	_ =	strace $0x9FFFFFFF  }
0xcc: {  	(tm) =	ssettm $0x7FFFFFFF  }
0xcd: {  	_ =	shalt  }
tec
execute0_lowered:
.L_overlay_start_1:
0x0: {  	(tag) =	ssettag $0x1  }
0x1: {  	s0 =	rddreg [dreg:$0x0]  }
0x2: {  	s2 =	rddreg [dreg:$0x1]  }
0x3: {  	s1 =	rddreg [dreg:$0x2];
	v0 =	vimm.s32 $0xEFCDAB89;
	v1 =	vimm.s32 $0x67452301  }
0x4: {  	s3 =	srdreg.scid;
	s4 =	stileid.u32;
	v2 =	vimm.s32 $0xDCFE98BA;
	v3 =	vimm.s32 $0x54761032;
	v4 =	vimm.s32 $0xBA98FEDC  }
0x5: {  	s6 =	rddreg [dreg:$0x6];
	s7 =	simm.s32 $0x0;
	v5 =	vimm.s32 $0x32107654;
	s13 =	simm.s32 $0x5;
	v6 =	vimm.s32 $0xFEDCBA98;
	v7 =	vimm.s32 $0x76543210  }
0x6: {  	s15 =	simm.s32 $0x1A900;
	s17 =	simm.s32 $0x1A980;
	s18 =	simm.s32 $0x1;
	v0 =	vunpack.c.l.s4.s8 v0;
	v1 =	vunpack.c.l.s4.s8 v1;
	v2 =	vunpack.c.l.s4.s8 v2  }
0x7: {  	s19 =	simm.s32 $0x68;
	s20 =	simm.s32 $0x1900;
	s21 =	simm.s32 $0x60;
	v3 =	vunpack.c.l.s4.s8 v3;
	v4 =	vunpack.c.l.s4.s8 v4;
	v5 =	vunpack.c.l.s4.s8 v5  }
0x8: {  	s22 =	simm.s32 $0x4D00;
	s23 =	simm.s32 $0xC8;
	s24 =	simm.s32 $0x7D00;
	v6 =	vunpack.c.l.s4.s8 v6;
	v0 =	vunpack.c.0.s8.s32 v0;
	v1 =	vunpack.c.0.s8.s32 v1  }
0x9: {  	s25 =	simm.s32 $0x130;
	s3 =	sand.u32 $0x1, s3;
	s4 =	sshll.u32 s4, $0x1;
	v7 =	vunpack.c.l.s4.s8 v7;
	v2 =	vunpack.c.0.s8.s32 v2;
	v3 =	vunpack.c.0.s8.s32 v3  }
0xa: {  	s28 =	simm.s32 $0xE100;
	s29 =	simm.s32 $0x2;
	s4 =	sor.u32 s3, s4;
	v4 =	vunpack.c.0.s8.s32 v4;
	v5 =	vunpack.c.0.s8.s32 v5;
	v0 =	vcombine.low v1, v0  }
0xb: {  	s30 =	simm.s32 $0x14500;
	[smem:$0x7FF] =	sst s7;
	s5 =	smul.u32 $0x320, s4;
	v1 =	vunpack.c.0.s8.s32 v6;
	v2 =	vcombine.low v3, v2  }
.Ltmp0:
0xc: {  	s3 =	ssub.s32 $0x2, s3;
	_ =	strace $0x80000047;
	v3 =	vcombine.low v5, v4;
	v4 =	vunpack.c.0.s8.s32 v7;
	v0 =	vand.u32 $0xF, v0;
	(pc) =	sbr.rel .LBB2_1-.Ltmp0, $4  }
0xd: {  	s26 =	sshrl.u32 s3, $0x1;
	s8 =	sshll.u32 s4, $0x5;
	s4 =	sshll.u32 s4, $0x2;
	v5 =	vand.u32 $0xF, v1;
	v1 =	vand.u32 $0xF, v2;
	[tilespmem:$0x1FFC0] =	vst v0  }
0xe: {  	s31 =	simm.s32 $0x3;
	s3 =	ssub.s32 s3, s26;
	s9 =	sadd.s32 s2, s4;
	v2 =	vand.u32 $0xF, v3;
	v3 =	vcombine.low v5, v4;
	[tilespmem:$0x1FFD0] =	vst v1  }
0xf: {  	s26 =	simm.s32 $0xB100;
	s4 =	simm.s32 $0x4;
	s0 =	sadd.s32 s5, s0;
	[tilespmem:$0x1FFE0] =	vst v2  }
0x10: {  	s11 =	smax.u32 s3, $0x1;
	s10 =	sadd.s32 $0x400, s0;
	s0 =	simm.s32 $0x0;
	[tilespmem:$0x1FFF0] =	vst v3  }
.LBB2_8:
0x11: {  	s0 =	sadd.s32 $0x1, s0  }
0x12: {  	_ =	swait.ge [sflag:s31], $0x6400;
	p0 =	sne.s32 s0, s11  }
.Ltmp1:
0x13: {  	[sflag:s31] =	ssyncset.done $0x0;
	(pc) =	sbr.rel @!p0 .LBB2_9-.Ltmp1, $4  }
0x14: {  	[sflag:s31] =	ssyncadd.s32 $0xFFFF9C00  }
0x15: {  	_ =	swait.ge [sflag:s4], $0x6400  }
0x16: {  	[sflag:s4] =	ssyncset.done $0x0  }
0x17: {  	v0 =	vmovc v4;
	v1 =	vmov v6;
	v2 =	vmov v7;
	v3 =	vmov v8;
	[sflag:s4] =	ssyncadd.s32 $0xFFFF9C00  }
.LBB2_1:
0x18: {  	s2 =	rddreg [dreg:$0x4];
	s3 =	simm.s32 $0x1B980  }
0x19: {  	[tilespmem:s3], [sflag:$0x5] =	stream.linear.gather [hbm4b:s2+s7], $0x80, $0x38;
	[tilespmem:$0x1BA80] =	vst v63  }
0x1a: {  	_ =	swait.ge [sflag:s13], $0x80  }
0x1b: {  	[sflag:s13] =	ssyncset.done $0x0  }
0x1c: {  	[sflag:s13] =	ssyncadd.s32 $0xFFFFFF80  }
0x1d: {  	s12 =	simm.s32 $0x1BA00;
	s5 =	rddreg [dreg:$0x5]  }
0x1e: {  	[tilespmem:s12], [sflag:$0x5] =	stream.linear.gather [hbm4b:s5+s7], $0x80, $0x38;
	[tilespmem:$0x1BA80] =	vst v63  }
0x1f: {  	_ =	swait.ge [sflag:s13], $0x80  }
0x20: {  	[sflag:s13] =	ssyncset.done $0x0  }
0x21: {  	[sflag:s13] =	ssyncadd.s32 $0xFFFFFF80  }
0x22: {  	[tilespmem:s15], [sflag:$0x5] =	stream.linear.gather [hbm4b:s9+s7], $0x20, $0x38;
	[tilespmem:$0x1BA80] =	vst v63  }
0x23: {  	_ =	swait.ge [sflag:s13], $0x20  }
0x24: {  	[sflag:s13] =	ssyncset.done $0x0  }
0x25: {  	[sflag:s13] =	ssyncadd.s32 $0xFFFFFFE0  }
0x26: {  	[tilespmem:s7], [sflag:$0x5] =	stream.linear.gather [hbm4b:s10+s7], $0x1900, $0x38;
	[tilespmem:$0x1BA80] =	vst v63  }
0x27: {  	_ =	swait.ge [sflag:s13], $0x1900  }
0x28: {  	[sflag:s13] =	ssyncset.done $0x0  }
0x29: {  	[sflag:s13] =	ssyncadd.s32 $0xFFFFE700  }
0x2a: {  	s16 =	simm.s32 $0x20;
	s14 =	rddreg [dreg:$0x3]  }
0x2b: {  	[tilespmem:s17], [sflag:$0x1] =	stream.indirect.gather [hbm4b:s14+s16], $0x80, s15, s16, $0xb8;
	[tilespmem:$0x1BA80] =	vst v63  }
0x2c: {  	_ =	swait.ge [sflag:s18], $0x1000  }
0x2d: {  	[sflag:s18] =	ssyncset.done $0x0  }
0x2e: {  	[sflag:s18] =	ssyncadd.s32 $0xFFFFF000  }
0x2f: {  	v7 =	vld [tilespmem:$0x1B980]  }
0x30: {  	v8 =	vld [tilespmem:$0x1B990]  }
0x31: {  	v11 =	vld [tilespmem:$0x1B9A0]  }
0x32: {  	v12 =	vld [tilespmem:$0x1B9B0]  }
0x33: {  	v13 =	vld [tilespmem:$0x1B9C0]  }
0x34: {  	v14 =	vld [tilespmem:$0x1B9D0]  }
0x35: {  	v15 =	vld [tilespmem:$0x1B9E0]  }
0x36: {  	v16 =	vld [tilespmem:$0x1B9F0]  }
0x37: {  	v20 =	vld [tilespmem:$0x1BA00]  }
0x38: {  	v21 =	vld [tilespmem:$0x1BA10]  }
0x39: {  	v22 =	vld [tilespmem:$0x1BA20]  }
0x3a: {  	v23 =	vld [tilespmem:$0x1BA30]  }
0x3b: {  	v24 =	vld [tilespmem:$0x1BA40]  }
0x3c: {  	v26 =	vld [tilespmem:$0x1BA50]  }
0x3d: {  	v27 =	vld [tilespmem:$0x1BA60]  }
0x3e: {  	v18 =	vld [tilespmem:$0x1BA70];
	[tilespmem:s20], [sflag:$0x1] =	stream.indirect.gather [hbm4b:s1+s19], $0x80, s7, s19, $0xb8  }
0x3f: {  	_ = 	snop  }
0x40: {  	[tilespmem:s22], [sflag:$0x1] =	stream.indirect.gather [hbm4b:s1+s21], $0x80, s19, s21, $0xb8;
	[tilespmem:$0x1BA80] =	vst v63  }
0x41: {  	_ = 	snop  }
0x42: {  	[tilespmem:s24], [sflag:$0x2] =	stream.indirect.gather [hbm4b:s1+s19], $0x80, s23, s19, $0xb8;
	[tilespmem:$0x1BA80] =	vst v63  }
0x43: {  	[tilespmem:$0x1FEC0] =	vst v20  }
0x44: {  	[tilespmem:$0x1FED0] =	vst v21  }
0x45: {  	[tilespmem:$0x1FEE0] =	vst v22  }
0x46: {  	[tilespmem:$0x1FEF0] =	vst v23  }
0x47: {  	[tilespmem:$0x1FF00] =	vst v24  }
0x48: {  	[tilespmem:$0x1FF10] =	vst v26  }
0x49: {  	[tilespmem:$0x1FF20] =	vst v27  }
0x4a: {  	[tilespmem:$0x1FF30] =	vst v18  }
0x4b: {  	[tilespmem:$0x1FF40] =	vst v7  }
0x4c: {  	[tilespmem:$0x1FF50] =	vst v8  }
0x4d: {  	[tilespmem:$0x1FF60] =	vst v11  }
0x4e: {  	[tilespmem:$0x1FF70] =	vst v12  }
0x4f: {  	[tilespmem:$0x1FF80] =	vst v13  }
0x50: {  	[tilespmem:$0x1FF90] =	vst v14  }
0x51: {  	[tilespmem:$0x1FFA0] =	vst v15  }
0x52: {  	s2 =	simm.s32 $0x0;
	[tilespmem:$0x1FFB0] =	vst v16  }
0x53: {  	[tilespmem:s26], [sflag:$0x2] =	stream.indirect.gather [hbm4b:s1+s21], $0x80, s25, s21, $0xb8;
	[tilespmem:$0x1BA80] =	vst v63  }
.LBB2_2:
0x54: {  	_ =	swait.ge [sflag:s18], $0x3400  }
0x55: {  	[sflag:s18] =	ssyncset.done $0x0  }
0x56: {  	[sflag:s18] =	ssyncadd.s32 $0xFFFFCC00  }
0x57: {  	_ =	swait.ge [sflag:s18], $0x3000  }
0x58: {  	p0 =	seq.s32 s2, $0x0;
	[sflag:s18] =	ssyncset.done $0x0  }
0x59: {  	s3 =	simm.s32 @!p0 $0x3;
	[sflag:s18] =	ssyncadd.s32 $0xFFFFD000  }
0x5a: {  	_ =	swait.ge @!p0 [sflag:s3], $0x6400  }
0x5b: {  	s5 =	sshll.u32 s2, $0x8;
	[sflag:s3] =	ssyncset.done @!p0 $0x0  }
0x5c: {  	s14 =	sand.u32 $0x3FFFFF00, s5;
	[sflag:s3] =	ssyncadd.s32 @!p0 $0xFFFF9C00  }
0x5d: {  	v11 =	vld [tilespmem:s14+$0x1A980]  }
0x5e: {  	v12 =	vld [tilespmem:s14+$0x1A990]  }
0x5f: {  	v13 =	vld [tilespmem:s14+$0x1A9A0]  }
0x60: {  	v17 =	vld [tilespmem:s14+$0x1A9B0]  }
0x61: {  	v19 =	vld [tilespmem:s14+$0x1A9C0]  }
0x62: {  	v25 =	vld [tilespmem:s14+$0x1A9D0]  }
0x63: {  	v31 =	vld [tilespmem:s14+$0x1A9E0]  }
0x64: {  	s16 =	simm.s32 $0x1A00;
	v32 =	vld [tilespmem:s14+$0x1A9F0]  }
0x65: {  	v4 =	vld [tilespmem:s16+$0x80]  }
0x66: {  	v5 =	vld [tilespmem:s16+$0x90]  }
0x67: {  	v28 =	vld [tilespmem:s16+$0xA0]  }
0x68: {  	v29 =	vld [tilespmem:s16+$0xB0]  }
0x69: {  	v30 =	vld [tilespmem:s16+$0xC0]  }
0x6a: {  	v35 =	vld [tilespmem:s16+$0xD0]  }
0x6b: {  	v36 =	vld [tilespmem:s16+$0xE0]  }
0x6c: {  	v37 =	vld [tilespmem:s16+$0xF0];
	v42 =	vadd.f32 v4, v11  }
0x6d: {  	v38 =	vld [tilespmem:s16+$0xFFFFFF10];
	v45 =	vadd.f32 v5, v12  }
0x6e: {  	v39 =	vld [tilespmem:s16+$0xFFFFFF20];
	v34 =	vadd.f32 v28, v13;
	[tilespmem:$0x1FE50] =	vst v42  }
0x6f: {  	v33 =	vadd.f32 v29, v17;
	[tilespmem:$0x1FE60] =	vst v45  }
0x70: {  	v30 =	vadd.f32 v30, v19;
	v4 =	vld [tilespmem:s16+$0xFFFFFF30];
	[tilespmem:$0x1FE70] =	vst v34  }
0x71: {  	v29 =	vadd.f32 v35, v25;
	[tilespmem:$0x1FE80] =	vst v33  }
0x72: {  	v28 =	vadd.f32 v36, v31;
	v5 =	vld [tilespmem:s16+$0xFFFFFF40];
	[tilespmem:$0x1FE90] =	vst v30  }
0x73: {  	v9 =	vadd.f32 v37, v32;
	[tilespmem:$0x1FEA0] =	vst v29  }
0x74: {  	v40 =	vadd.f32 v45, v42;
	v41 =	vadd.f32 v33, v34;
	v42 =	vmul.f32 v42, v42;
	v35 =	vld [tilespmem:s16+$0xFFFFFF50];
	[tilespmem:$0x1FEB0] =	vst v28  }
0x75: {  	v44 =	vadd.f32 v29, v30;
	v45 =	vmul.f32 v45, v45;
	v46 =	vmul.f32 v34, v34;
	v10 =	vld [tilespmem:s16+$0xFFFFFF60]  }
0x76: {  	v47 =	vadd.f32 v9, v28;
	v48 =	vmul.f32 v33, v33;
	v50 =	vmul.f32 v30, v30;
	v43 =	vld [tilespmem:s16+$0xFFFFFF70]  }
0x77: {  	v52 =	vmul.f32 v29, v29;
	v53 =	vmul.f32 v28, v28;
	v49 =	vld [tilespmem:s16+$0xFFFFFF80];
	[tilespmem:$0x1FE30] =	vst v9  }
0x78: {  	v36 =	vmul.f32 v9, v9;
	v40 =	vadd.f32 v41, v40;
	v34 =	vadd.f32 v47, v44;
	v51 =	vld [tilespmem:s16+$0xFFFFFF90]  }
0x79: {  	v45 =	vadd.f32 v45, v42;
	v46 =	vadd.f32 v48, v46;
	v54 =	vld [tilespmem:s16+$0xFFFFFFA0]  }
0x7a: {  	v52 =	vadd.f32 v52, v50;
	v44 =	vadd.f32 v36, v53;
	v55 =	vld [tilespmem:s16+$0xFFFFFFB0]  }
0x7b: {  	v30 =	vadd.f32 v38, v12;
	v40 =	vadd.f32 v34, v40;
	v57 =	vld [tilespmem:s16+$0xFFFFFFC0]  }
0x7c: {  	v45 =	vadd.f32 v46, v45;
	v44 =	vadd.f32 v44, v52;
	v38 =	vld [tilespmem:s16+$0xFFFFFFD0]  }
0x7d: {  	v58 =	vadd.f32 v39, v13;
	v41 =	vld [tilespmem:s16+$0xFFFFFFE0];
	v52 =	vadd.f32 v4, v17;
	v53 =	vperm.xlane v40, v0  }
0x7e: {  	v28 =	vld [tilespmem:s16+$0xFFFFFFF0];
	v39 =	vadd.f32 v44, v45;
	v47 =	vadd.f32 v5, v19  }
0x7f: {  	v5 =	vld [tilespmem:s16+$0x0];
	[tilespmem:$0x1FE40] =	vst v30;
	v56 =	vadd.f32 v35, v25;
	v40 =	vadd.f32 v40, v53  }
0x80: {  	v35 =	vld [tilespmem:s16+$0x10];
	v45 =	vperm.xlane v39, v0;
	v48 =	vadd.f32 v10, v31;
	v29 =	vadd.f32 v43, v32  }
0x81: {  	v62 =	vmul.f32 v58, v58;
	v9 =	vld [tilespmem:s16+$0x20];
	v53 =	vadd.f32 v49, v11;
	v33 =	vadd.f32 v51, v12  }
0x82: {  	v60 =	vld [tilespmem:s16+$0x30];
	v44 =	vmul.f32 v52, v52;
	v49 =	vadd.f32 v54, v13;
	v39 =	vadd.f32 v45, v39  }
0x83: {  	v63 =	vld [tilespmem:s16+$0x40];
	v43 =	vmul.f32 v47, v47;
	v59 =	vadd.f32 v55, v17;
	v54 =	vadd.f32 v57, v19  }
0x84: {  	v34 =	vld [tilespmem:s16+$0x60];
	v10 =	vperm.xlane v40, v1;
	v50 =	vadd.f32 v38, v25;
	v57 =	vadd.f32 v41, v31  }
0x85: {  	v46 =	vld [tilespmem:s16+$0x70];
	v51 =	vadd.f32 v28, v32;
	v42 =	vmul.f32 v56, v56;
	v41 =	vadd.f32 v52, v58  }
0x86: {  	v44 =	vadd.f32 v44, v62;
	v4 =	vadd.f32 v40, v10  }
0x87: {  	v61 =	vmul.f32 v30, v30;
	v45 =	vld [tilespmem:s16+$0x50];
	v6 =	vadd.f32 v5, v11;
	v42 =	vadd.f32 v42, v43  }
0x88: {  	v28 =	vld [tilespmem:s16+$0xFFFFFF00];
	v36 =	vperm.xlane v39, v1;
	v55 =	vadd.f32 v35, v12;
	v10 =	vadd.f32 v9, v13  }
0x89: {  	[tilespmem:$0x1FDB0] =	vst v12;
	v40 =	vmul.f32 v53, v53;
	v9 =	vadd.f32 v60, v17;
	v63 =	vadd.f32 v63, v19  }
0x8a: {  	[tilespmem:$0x1FDC0] =	vst v13;
	v37 =	vmul.f32 v33, v33;
	v12 =	vadd.f32 v34, v31;
	v13 =	vadd.f32 v46, v32  }
0x8b: {  	[tilespmem:$0x1FE00] =	vst v31;
	v38 =	vmul.f32 v29, v29;
	v31 =	vadd.f32 v56, v47;
	v39 =	vadd.f32 v36, v39  }
0x8c: {  	[tilespmem:$0x1FDD0] =	vst v17;
	v60 =	vmul.f32 v48, v48;
	v37 =	vadd.f32 v37, v40;
	v17 =	vadd.f32 v45, v25  }
0x8d: {  	[tilespmem:$0x1FE20] =	vst v11;
	v5 =	vperm.xlane v4, v2;
	v45 =	vadd.f32 v28, v11;
	v11 =	vadd.f32 v51, v57  }
0x8e: {  	[tilespmem:$0x1FDE0] =	vst v19;
	v43 =	vmul.f32 v57, v57;
	v36 =	vadd.f32 v55, v6;
	v38 =	vadd.f32 v38, v60  }
0x8f: {  	v19 =	vmovc v29;
	v34 =	vmul.f32 v49, v49;
	v60 =	vadd.f32 v13, v12;
	v4 =	vadd.f32 v4, v5  }
0x90: {  	v5 =	vperm.xlane v39, v2;
	v29 =	vadd.f32 v30, v45;
	v30 =	vadd.f32 v19, v48  }
0x91: {  	v28 =	vmul.f32 v45, v45;
	v62 =	vadd.f32 v17, v63;
	v38 =	vadd.f32 v38, v42  }
0x92: {  	v35 =	vperm.xlane v4, v3;
	v39 =	vadd.f32 v5, v39;
	v30 =	vadd.f32 v30, v31  }
0x93: {  	v31 =	vmul.f32 v54, v54;
	v28 =	vadd.f32 v61, v28;
	v61 =	vmul.f32 v50, v50  }
0x94: {  	v60 =	vadd.f32 v60, v62;
	v4 =	vadd.f32 v4, v35;
	v5 =	vperm.xlane v39, v3  }
0x95: {  	v62 =	vmul.f32 v12, v12;
	v35 =	vadd.f32 v50, v54;
	v31 =	vadd.f32 v61, v31  }
0x96: {  	[tilespmem:$0x1FDF0] =	vst v25;
	v28 =	vadd.f32 v44, v28;
	v46 =	vmul.f32 $7.812500000e-03, v4;
	v4 =	vadd.f32 v5, v39  }
0x97: {  	v25 =	vmovc v33;
	v61 =	vmul.f32 v9, v9;
	v39 =	vadd.f32 v33, v53;
	v33 =	vadd.f32 v59, v49  }
0x98: {  	[tilespmem:$0x1FE10] =	vst v32;
	v32 =	vadd.f32 v11, v35;
	v35 =	vmul.f32 v6, v6;
	v11 =	vmul.f32 v55, v55  }
0x99: {  	v28 =	vadd.f32 v38, v28;
	v5 =	vmul.f32 $7.812500000e-03, v4;
	v4 =	vmul.f32 v46, v46  }
0x9a: {  	v33 =	vadd.f32 v33, v39;
	v39 =	vmul.f32 v51, v51;
	v35 =	vadd.f32 v11, v35  }
0x9b: {  	v4 =	vsub.f32 v5, v4;
	v5 =	vadd.f32 v41, v29;
	v29 =	vmul.f32 v59, v59  }
0x9c: {  	v11 =	vmul.f32 v13, v13;
	v41 =	vadd.f32 v9, v10;
	v39 =	vadd.f32 v39, v43  }
0x9d: {  	v43 =	vmul.f32 v63, v63;
	v32 =	vadd.f32 v32, v33;
	v29 =	vadd.f32 v29, v34  }
0x9e: {  	v34 =	vmul.f32 v10, v10;
	v36 =	vadd.f32 v41, v36;
	v5 =	vadd.f32 v30, v5  }
0x9f: {  	v41 =	vmul.f32 v17, v17;
	v30 =	vadd.f32 v11, v62;
	v4 =	vadd.f32 $9.999999960e-13, v4  }
0xa0: {  	v31 =	vadd.f32 v39, v31;
	v34 =	vadd.f32 v61, v34  }
0xa1: {  	v41 =	vadd.f32 v41, v43;
	v29 =	vadd.f32 v29, v37  }
0xa2: {  	v33 =	vshra.s32 v4, $0x1;
	v4 =	vmul.f32 $5.000000000e-01, v4;
	v44 =	vperm.xlane v5, v0  }
0xa3: {  	v36 =	vadd.f32 v60, v36;
	v60 =	vperm.xlane v32, v0;
	v34 =	vadd.f32 v34, v35  }
0xa4: {  	v61 =	vperm.xlane v28, v0;
	v29 =	vadd.f32 v31, v29;
	v5 =	vadd.f32 v5, v44  }
0xa5: {  	v33 =	vsub.s32 $0x5F3759DF, v33;
	v30 =	vadd.f32 v30, v41;
	v32 =	vadd.f32 v32, v60  }
0xa6: {  	v28 =	vadd.f32 v61, v28;
	v62 =	vperm.xlane v29, v0;
	v11 =	vperm.xlane v5, v1  }
0xa7: {  	v31 =	vperm.xlane v36, v0;
	v30 =	vadd.f32 v30, v34;
	v40 =	vperm.xlane v32, v1  }
0xa8: {  	v42 =	vperm.xlane v28, v1;
	v29 =	vadd.f32 v62, v29;
	v5 =	vadd.f32 v5, v11  }
0xa9: {  	v31 =	vadd.f32 v36, v31;
	v0 =	vperm.xlane v30, v0;
	v32 =	vadd.f32 v32, v40  }
0xaa: {  	v28 =	vadd.f32 v42, v28;
	v43 =	vperm.xlane v29, v1;
	v44 =	vperm.xlane v5, v2  }
0xab: {  	v41 =	vperm.xlane v31, v1;
	v30 =	vadd.f32 v0, v30;
	v60 =	vperm.xlane v32, v2  }
0xac: {  	v62 =	vperm.xlane v28, v2;
	v29 =	vadd.f32 v43, v29;
	v5 =	vadd.f32 v5, v44  }
0xad: {  	v31 =	vadd.f32 v31, v41;
	v36 =	vperm.xlane v30, v1;
	v32 =	vadd.f32 v32, v60  }
0xae: {  	v28 =	vadd.f32 v62, v28;
	v0 =	vperm.xlane v29, v2;
	v1 =	vperm.xlane v5, v3  }
0xaf: {  	v61 =	vperm.xlane v31, v2;
	v30 =	vadd.f32 v36, v30;
	v37 =	vperm.xlane v32, v3  }
0xb0: {  	v38 =	vperm.xlane v28, v3;
	v29 =	vadd.f32 v0, v29;
	v5 =	vadd.f32 v5, v1  }
0xb1: {  	v31 =	vadd.f32 v31, v61;
	v2 =	vperm.xlane v30, v2;
	v32 =	vadd.f32 v32, v37  }
0xb2: {  	v28 =	vadd.f32 v38, v28;
	v39 =	vperm.xlane v29, v3;
	v5 =	vmul.f32 $7.812500000e-03, v5  }
0xb3: {  	v11 =	vperm.xlane v31, v3;
	v30 =	vadd.f32 v2, v30;
	v32 =	vmul.f32 $7.812500000e-03, v32  }
0xb4: {  	v28 =	vmul.f32 $7.812500000e-03, v28;
	v29 =	vadd.f32 v39, v29;
	v41 =	vmul.f32 v5, v5  }
0xb5: {  	v43 =	vmul.f32 v33, v4;
	v31 =	vadd.f32 v31, v11;
	v40 =	vperm.xlane v30, v3  }
0xb6: {  	v42 =	vmul.f32 v32, v32;
	v29 =	vmul.f32 $7.812500000e-03, v29;
	v28 =	vsub.f32 v28, v41  }
0xb7: {  	v60 =	vmul.f32 v33, v43;
	v31 =	vmul.f32 $7.812500000e-03, v31;
	v30 =	vadd.f32 v40, v30  }
0xb8: {  	v29 =	vsub.f32 v29, v42;
	v28 =	vadd.f32 $9.999999960e-13, v28  }
0xb9: {  	v34 =	vsub.f32 $1.500000000e+00, v60;
	v44 =	vmul.f32 v31, v31;
	v30 =	vmul.f32 $7.812500000e-03, v30  }
0xba: {  	v29 =	vadd.f32 $9.999999960e-13, v29;
	v61 =	vshra.s32 v28, $0x1;
	v28 =	vmul.f32 $5.000000000e-01, v28  }
0xbb: {  	v33 =	vmul.f32 v33, v34;
	v30 =	vsub.f32 v30, v44;
	v35 =	vsub.s32 $0x5F3759DF, v61  }
0xbc: {  	v62 =	vshra.s32 v29, $0x1;
	v29 =	vmul.f32 $5.000000000e-01, v29;
	v1 =	vmul.f32 v35, v28  }
0xbd: {  	v4 =	vmul.f32 v33, v4;
	v30 =	vadd.f32 $9.999999960e-13, v30;
	v36 =	vsub.s32 $0x5F3759DF, v62  }
0xbe: {  	v2 =	vmul.f32 v36, v29;
	v38 =	vmul.f32 v35, v1  }
0xbf: {  	v4 =	vmul.f32 v4, v33;
	v0 =	vshra.s32 v30, $0x1;
	v30 =	vmul.f32 $5.000000000e-01, v30  }
0xc0: {  	v42 =	vld [tilespmem:$0x1FE30];
	v37 =	vsub.s32 $0x5F3759DF, v0;
	v34 =	vmul.f32 v36, v2;
	v38 =	vsub.f32 $1.500000000e+00, v38  }
0xc1: {  	v4 =	vsub.f32 $1.500000000e+00, v4;
	v11 =	vmul.f32 v37, v30  }
0xc2: {  	v34 =	vsub.f32 $1.500000000e+00, v34;
	v35 =	vmul.f32 v35, v38  }
0xc3: {  	v4 =	vmul.f32 v4, v33;
	v39 =	vmul.f32 v37, v11  }
0xc4: {  	v34 =	vmul.f32 v36, v34;
	v28 =	vmul.f32 v35, v28  }
0xc5: {  	v44 =	vmul.f32 v4, v16;
	v43 =	vsub.f32 v42, v46;
	v40 =	vsub.f32 $1.500000000e+00, v39  }
0xc6: {  	v29 =	vmul.f32 v34, v29;
	v28 =	vmul.f32 v28, v35  }
0xc7: {  	v33 =	vmul.f32 v44, v43;
	v44 =	vld [tilespmem:$0x1FE40];
	v41 =	vmul.f32 v37, v40  }
0xc8: {  	v1 =	vld [tilespmem:$0x1FF60];
	v29 =	vmul.f32 v29, v34;
	v28 =	vsub.f32 $1.500000000e+00, v28  }
0xc9: {  	v2 =	vld [tilespmem:$0x1FF70];
	v30 =	vmul.f32 v41, v30  }
0xca: {  	v60 =	vsub.f32 v45, v5;
	v29 =	vsub.f32 $1.500000000e+00, v29;
	v28 =	vmul.f32 v28, v35  }
0xcb: {  	v3 =	vld [tilespmem:$0x1FF80];
	v42 =	vsub.f32 v50, v32;
	v38 =	vsub.f32 v52, v5;
	v30 =	vmul.f32 v30, v41  }
0xcc: {  	v45 =	vsub.f32 v44, v5;
	v29 =	vmul.f32 v29, v34;
	v61 =	vmul.f32 v28, v7  }
0xcd: {  	v30 =	vsub.f32 $1.500000000e+00, v30;
	v62 =	vmul.f32 v28, v8;
	v11 =	vmul.f32 v28, v1  }
0xce: {  	v34 =	vsub.f32 v58, v5;
	v58 =	vmul.f32 v28, v2;
	v0 =	vmul.f32 v28, v14  }
0xcf: {  	v52 =	vsub.f32 v47, v5;
	v30 =	vmul.f32 v30, v41;
	v35 =	vmul.f32 v61, v60  }
0xd0: {  	v60 =	vsub.f32 v56, v5;
	v44 =	vmul.f32 v62, v45;
	v61 =	vmul.f32 v28, v3  }
0xd1: {  	v34 =	vmul.f32 v11, v34;
	v45 =	vmul.f32 v58, v38;
	v11 =	vsub.f32 v53, v32  }
0xd2: {  	v58 =	vsub.f32 v59, v32;
	v59 =	vmul.f32 v29, v7;
	v47 =	vmul.f32 v61, v52  }
0xd3: {  	v62 =	vsub.f32 v48, v5;
	v48 =	vmul.f32 v0, v60;
	v52 =	vmul.f32 v28, v15  }
0xd4: {  	v5 =	vsub.f32 v19, v5;
	v28 =	vmul.f32 v28, v16;
	v50 =	vmul.f32 v59, v11  }
0xd5: {  	v37 =	vsub.f32 v57, v32;
	v61 =	vmul.f32 v29, v1;
	v0 =	vmul.f32 v29, v14  }
0xd6: {  	v53 =	vsub.f32 v25, v32;
	v28 =	vmul.f32 v28, v5;
	v5 =	vmul.f32 v29, v8  }
0xd7: {  	v56 =	vsub.f32 v49, v32;
	v11 =	vmul.f32 v29, v15;
	v49 =	vmul.f32 v52, v62  }
0xd8: {  	v60 =	vsub.f32 v54, v32;
	v62 =	vmul.f32 v29, v3;
	v52 =	vmul.f32 v5, v53  }
0xd9: {  	v32 =	vsub.f32 v51, v32;
	v5 =	vmul.f32 v29, v2;
	v29 =	vmul.f32 v29, v16  }
0xda: {  	v51 =	vmul.f32 v61, v56  }
0xdb: {  	v61 =	vsub.f32 v9, v31;
	v36 =	vmul.f32 v29, v32;
	v29 =	vmul.f32 v30, v2  }
0xdc: {  	v43 =	vsub.f32 v6, v31  }
0xdd: {  	v54 =	vsub.f32 v55, v31;
	v38 =	vmul.f32 v29, v61;
	v29 =	vadd.f32 v33, v18  }
0xde: {  	s3 =	simm.s32 $0xE200;
	v55 =	vsub.f32 v10, v31;
	v10 =	vsub.f32 v17, v31  }
0xdf: {  	v44 =	vadd.f32 v44, v21;
	v40 =	vmul.f32 v11, v37;
	v9 =	vmul.f32 v30, v1;
	[tilespmem:s3+$0xF0] =	vst v29  }
0xe0: {  	v11 =	vsub.f32 v12, v31;
	v12 =	vmul.f32 v30, v3;
	v56 =	vmul.f32 v62, v60;
	v59 =	vld [tilespmem:$0x1FE50]  }
0xe1: {  	v34 =	vadd.f32 v34, v22;
	v60 =	vmul.f32 v30, v7;
	v62 =	vmul.f32 v30, v8  }
0xe2: {  	v53 =	vmul.f32 v5, v58;
	v5 =	vmul.f32 v0, v42;
	v58 =	vadd.f32 v35, v20  }
0xe3: {  	v0 =	vsub.f32 v63, v31;
	v31 =	vsub.f32 v13, v31;
	v13 =	vmul.f32 v30, v14  }
0xe4: {  	v45 =	vadd.f32 v45, v23;
	v61 =	vmul.f32 v30, v15;
	v30 =	vmul.f32 v30, v16;
	[tilespmem:s3+$0xFFFFFF00] =	vst v58  }
0xe5: {  	v41 =	vmul.f32 v60, v43;
	v29 =	vmul.f32 v4, v7;
	[tilespmem:s3+$0xFFFFFF10] =	vst v44;
	v60 =	vsub.f32 v59, v46  }
0xe6: {  	v33 =	vmul.f32 v30, v31;
	v30 =	vadd.f32 v47, v24;
	v63 =	vld [tilespmem:$0x1FE60];
	[tilespmem:s3+$0xFFFFFF20] =	vst v34  }
0xe7: {  	[tilespmem:s3+$0xFFFFFF30] =	vst v45;
	v45 =	vmul.f32 v29, v60;
	v29 =	vadd.f32 v48, v26  }
0xe8: {  	v37 =	vmul.f32 v13, v10;
	v10 =	vadd.f32 v49, v27;
	[tilespmem:s3+$0xFFFFFF40] =	vst v30  }
0xe9: {  	v28 =	vadd.f32 v28, v18;
	v43 =	vmul.f32 v9, v55;
	v9 =	vld [tilespmem:$0x1FE70];
	[tilespmem:s3+$0xFFFFFF50] =	vst v29  }
0xea: {  	v44 =	vmul.f32 v61, v11;
	v58 =	vadd.f32 v50, v20;
	v11 =	vld [tilespmem:$0x1FE80];
	[tilespmem:s3+$0xFFFFFF60] =	vst v10  }
0xeb: {  	v55 =	vld [tilespmem:$0x1FE90];
	[tilespmem:s3+$0xFFFFFF70] =	vst v28  }
0xec: {  	v39 =	vmul.f32 v62, v54;
	v62 =	vmul.f32 v4, v8;
	v60 =	vld [tilespmem:$0x1FEA0];
	[tilespmem:s3+$0xFFFFFF80] =	vst v58  }
0xed: {  	v52 =	vadd.f32 v52, v21;
	v42 =	vmul.f32 v12, v0;
	v8 =	vsub.f32 v63, v46;
	v63 =	vld [tilespmem:$0x1FEB0]  }
0xee: {  	v13 =	vmul.f32 v4, v3;
	v47 =	vadd.f32 v53, v23;
	v30 =	vmul.f32 v4, v1  }
0xef: {  	v59 =	vmul.f32 v4, v14;
	v31 =	vsub.f32 v9, v46;
	v34 =	vmul.f32 v62, v8  }
0xf0: {  	v62 =	vadd.f32 v51, v22;
	v29 =	vmul.f32 v4, v2;
	v12 =	vsub.f32 v11, v46  }
0xf1: {  	v31 =	vmul.f32 v30, v31;
	v57 =	vsub.f32 v55, v46;
	v61 =	vsub.f32 v60, v46  }
0xf2: {  	[tilespmem:s3+$0xFFFFFFA0] =	vst v62;
	v62 =	vmul.f32 v4, v15;
	v29 =	vmul.f32 v29, v12;
	v28 =	vsub.f32 v63, v46  }
0xf3: {  	s12 =	simm.s32 $0x0;
	s5 =	sshll.u32 s2, $0x1;
	s14 =	simm.s32 $0x1C00;
	[tilespmem:s3+$0xFFFFFF90] =	vst v52;
	v32 =	vmul.f32 v13, v57;
	v46 =	vadd.f32 v56, v24;
	v30 =	vmul.f32 v59, v61  }
.LBB2_3:
0xf4: {  	v4 =	vld [tilespmem:s14+$0x80]  }
0xf5: {  	v35 =	vld [tilespmem:s14+$0x90]  }
0xf6: {  	v11 =	vld [tilespmem:s14+$0xA0]  }
0xf7: {  	v57 =	vld [tilespmem:s14+$0xB0]  }
0xf8: {  	v59 =	vld [tilespmem:s14+$0xC0]  }
0xf9: {  	v49 =	vld [tilespmem:s14+$0xF0]  }
0xfa: {  	v0 =	vld [tilespmem:$0x1FE20]  }
0xfb: {  	v1 =	vld [tilespmem:$0x1FDB0]  }
0xfc: {  	v2 =	vld [tilespmem:$0x1FDC0]  }
0xfd: {  	v3 =	vld [tilespmem:$0x1FDD0]  }
0xfe: {  	v5 =	vadd.f32 v5, v26;
	v40 =	vadd.f32 v40, v27;
	v6 =	vld [tilespmem:$0x1FDE0]  }
0xff: {  	v58 =	vadd.f32 v42, v24;
	v60 =	vadd.f32 v37, v26;
	v10 =	vld [tilespmem:$0x1FDF0]  }
0x100: {  	[tilespmem:s3+$0xFFFFFFC0] =	vst v46;
	v61 =	vadd.f32 v44, v27;
	v13 =	vld [tilespmem:$0x1FE00];
	v36 =	vadd.f32 v36, v18  }
0x101: {  	v14 =	vld [tilespmem:$0x1FE10];
	[tilespmem:s3+$0xFFFFFFB0] =	vst v47;
	v41 =	vadd.f32 v41, v20;
	v56 =	vadd.f32 v43, v22  }
0x102: {  	v28 =	vmul.f32 v62, v28;
	v38 =	vadd.f32 v38, v23;
	v62 =	vld [tilespmem:s14+$0xD0];
	v63 =	vadd.f32 v33, v18;
	[tilespmem:s3+$0xFFFFFFD0] =	vst v5  }
0x103: {  	v45 =	vadd.f32 v45, v20;
	v33 =	vld [tilespmem:s14+$0xE0];
	v48 =	vadd.f32 v31, v22;
	[tilespmem:s3+$0xFFFFFFE0] =	vst v40  }
0x104: {  	v5 =	vadd.f32 v39, v21;
	[tilespmem:s3+$0x40] =	vst v58;
	v16 =	vadd.f32 v4, v0  }
0x105: {  	v51 =	vld [tilespmem:s14+$0xFFFFFF10];
	[tilespmem:s3+$0x50] =	vst v60;
	v12 =	vadd.f32 v35, v1;
	v15 =	vadd.f32 v11, v2  }
0x106: {  	v53 =	vld [tilespmem:s14+$0xFFFFFF20];
	[tilespmem:s3+$0x60] =	vst v61;
	v9 =	vadd.f32 v57, v3;
	v11 =	vadd.f32 v59, v6  }
0x107: {  	v37 =	vld [tilespmem:s14+$0xFFFFFF50];
	[tilespmem:s3+$0xFFFFFFF0] =	vst v36;
	v59 =	vadd.f32 v49, v14;
	v7 =	vadd.f32 v62, v10  }
0x108: {  	v42 =	vld [tilespmem:s14+$0xFFFFFF60];
	[tilespmem:s3+$0x0] =	vst v41;
	v8 =	vadd.f32 v33, v13;
	v4 =	vadd.f32 v12, v16;
	v43 =	vmul.f32 v16, v16  }
0x109: {  	v44 =	vld [tilespmem:s14+$0xFFFFFF70];
	[tilespmem:s3+$0x70] =	vst v63;
	v60 =	vadd.f32 v9, v15;
	v62 =	vmul.f32 v12, v12;
	v63 =	vmul.f32 v15, v15  }
0x10a: {  	v18 =	vld [tilespmem:$0x1FFD0];
	[tilespmem:s3+$0x20] =	vst v56;
	v54 =	vmul.f32 v9, v9;
	v55 =	vmul.f32 v11, v11;
	v61 =	vadd.f32 v7, v11  }
0x10b: {  	v40 =	vld [tilespmem:s14+$0xFFFFFF30];
	[tilespmem:$0x1FD10] =	vst v15;
	v49 =	vadd.f32 v59, v8;
	v15 =	vmul.f32 v7, v7;
	v56 =	vmul.f32 v8, v8  }
0x10c: {  	v36 =	vld [tilespmem:s14+$0xFFFFFF40];
	[tilespmem:s3+$0x80] =	vst v45;
	v58 =	vadd.f32 v60, v4;
	v60 =	vmul.f32 v59, v59;
	v43 =	vadd.f32 v62, v43  }
0x10d: {  	[tilespmem:s3+$0xA0] =	vst v48;
	v48 =	vld [tilespmem:s14+$0xFFFFFF90];
	v45 =	vadd.f32 v49, v61;
	v61 =	vadd.f32 v54, v63  }
0x10e: {  	[tilespmem:s3+$0x30] =	vst v38;
	v47 =	vld [tilespmem:s14+$0xFFFFFFC0];
	v62 =	vadd.f32 v15, v55;
	v63 =	vadd.f32 v60, v56  }
0x10f: {  	[tilespmem:s3+$0x10] =	vst v5;
	v5 =	vadd.f32 v34, v21;
	v57 =	vld [tilespmem:s14+$0xFFFFFFA0];
	v20 =	vadd.f32 v37, v10  }
0x110: {  	v37 =	vld [tilespmem:s14+$0x0];
	v43 =	vadd.f32 v61, v43;
	v15 =	vadd.f32 v63, v62  }
0x111: {  	v50 =	vadd.f32 v32, v24;
	v38 =	vadd.f32 v30, v26;
	v35 =	vld [tilespmem:s14+$0x10]  }
0x112: {  	v52 =	vadd.f32 v28, v27;
	[tilespmem:s3+$0x90] =	vst v5;
	v33 =	vadd.f32 v15, v43;
	v15 =	vld [tilespmem:$0x1FFC0]  }
0x113: {  	v34 =	vadd.f32 v29, v23;
	v41 =	vadd.f32 v53, v2;
	v5 =	vld [tilespmem:s14+$0xFFFFFF80];
	[tilespmem:$0x1FD00] =	vst v12  }
0x114: {  	v44 =	vadd.f32 v44, v14;
	v12 =	vadd.f32 v51, v1;
	[tilespmem:$0x1FD50] =	vst v8;
	v8 =	vld [tilespmem:s14+$0xFFFFFFD0]  }
0x115: {  	[tilespmem:s3+$0xE0] =	vst v52;
	v19 =	vadd.f32 v36, v6;
	v36 =	vld [tilespmem:s14+$0xFFFFFFF0];
	v45 =	vadd.f32 v45, v58  }
0x116: {  	[tilespmem:$0x1FD20] =	vst v9;
	v9 =	vld [tilespmem:s14+$0xFFFFFFE0];
	v31 =	vmul.f32 v20, v20;
	v51 =	vadd.f32 v48, v1;
	v54 =	vadd.f32 v40, v3  }
0x117: {  	[tilespmem:s3+$0xB0] =	vst v34;
	v49 =	vld [tilespmem:s14+$0xFFFFFFB0];
	v52 =	vadd.f32 v57, v2;
	v55 =	vadd.f32 v35, v1;
	v34 =	vperm.xlane v45, v15  }
0x118: {  	v29 =	vmul.f32 v44, v44;
	[tilespmem:$0x1FD40] =	vst v7;
	v7 =	vld [tilespmem:s14+$0x50];
	v56 =	vadd.f32 v47, v6;
	v47 =	vadd.f32 v37, v0  }
0x119: {  	[tilespmem:$0x1FD30] =	vst v11;
	v48 =	vld [tilespmem:s14+$0x30];
	v57 =	vadd.f32 v8, v10;
	v11 =	vperm.xlane v33, v15;
	v45 =	vadd.f32 v45, v34  }
0x11a: {  	[tilespmem:$0x1FCF0] =	vst v16;
	v16 =	vld [tilespmem:$0x1FFE0];
	v32 =	vmul.f32 v12, v12;
	v53 =	vadd.f32 v36, v14;
	v43 =	vadd.f32 v42, v13  }
0x11b: {  	v42 =	vadd.f32 v5, v0;
	v5 =	vld [tilespmem:s14+$0x20];
	v40 =	vadd.f32 v11, v33;
	v58 =	vperm.xlane v45, v18  }
0x11c: {  	v60 =	vld [tilespmem:s14+$0x40];
	v63 =	vmul.f32 v19, v19;
	v30 =	vadd.f32 v55, v47;
	v46 =	vadd.f32 v49, v3  }
0x11d: {  	v4 =	vmovc v12;
	v8 =	vld [tilespmem:s14+$0x60];
	v49 =	vadd.f32 v9, v13;
	v12 =	vperm.xlane v40, v18;
	v9 =	vadd.f32 v45, v58  }
0x11e: {  	v17 =	vld [tilespmem:$0x1FFF0];
	[tilespmem:s3+$0xC0] =	vst v50;
	v37 =	vmul.f32 v52, v52;
	v50 =	vadd.f32 v48, v3;
	v48 =	vadd.f32 v7, v10  }
0x11f: {  	v31 =	vadd.f32 v31, v63;
	v58 =	vadd.f32 v12, v40;
	v35 =	vperm.xlane v9, v16  }
0x120: {  	v39 =	vmul.f32 v43, v43;
	v28 =	vmul.f32 v46, v46;
	v40 =	vadd.f32 v5, v2  }
0x121: {  	v33 =	vld [tilespmem:s14+$0x70];
	v45 =	vadd.f32 v60, v6;
	v60 =	vperm.xlane v58, v16;
	v5 =	vadd.f32 v9, v35  }
0x122: {  	v1 =	vadd.f32 v8, v13;
	v29 =	vadd.f32 v29, v39  }
0x123: {  	v28 =	vadd.f32 v28, v37;
	v8 =	vadd.f32 v60, v58;
	v7 =	vperm.xlane v5, v17  }
0x124: {  	v61 =	vmul.f32 v41, v41;
	v11 =	vadd.f32 v44, v43;
	v12 =	vadd.f32 v20, v19  }
0x125: {  	[tilespmem:$0x1FCC0] =	vst v20;
	v20 =	vadd.f32 v53, v49;
	v5 =	vadd.f32 v5, v7;
	v7 =	vperm.xlane v8, v17  }
0x126: {  	v25 =	vmul.f32 v57, v57;
	v34 =	vld [tilespmem:s14+$0xFFFFFF00];
	v2 =	vadd.f32 v33, v14;
	v33 =	vadd.f32 v46, v52  }
0x127: {  	v14 =	vadd.f32 v57, v56;
	v36 =	vmul.f32 $7.812500000e-03, v5;
	v5 =	vadd.f32 v7, v8  }
0x128: {  	[tilespmem:$0x1FCB0] =	vst v19;
	v19 =	vmul.f32 v56, v56;
	v27 =	vadd.f32 v50, v40;
	v23 =	vadd.f32 v48, v45  }
0x129: {  	v12 =	vadd.f32 v11, v12;
	v5 =	vmul.f32 $7.812500000e-03, v5;
	v21 =	vmul.f32 v36, v36  }
0x12a: {  	v62 =	vmul.f32 v54, v54;
	v19 =	vadd.f32 v25, v19;
	v22 =	vadd.f32 v2, v1  }
0x12b: {  	v10 =	vmul.f32 v47, v47;
	v60 =	vadd.f32 v34, v0;
	v5 =	vsub.f32 v5, v21  }
0x12c: {  	[tilespmem:s3+$0xD0] =	vst v38;
	v38 =	vmul.f32 v42, v42;
	v39 =	vadd.f32 v20, v14;
	v9 =	vadd.f32 v54, v41  }
0x12d: {  	v26 =	vmul.f32 v49, v49;
	v3 =	vadd.f32 v4, v60;
	v5 =	vadd.f32 $9.999999960e-13, v5  }
0x12e: {  	[tilespmem:$0x1FCE0] =	vst v2;
	v58 =	vmovc v4;
	v0 =	vmov v2;
	v2 =	vmul.f32 v48, v48;
	v4 =	vmul.f32 v50, v50  }
0x12f: {  	v24 =	vadd.f32 v9, v3;
	v6 =	vshra.s32 v5, $0x1;
	v5 =	vmul.f32 $5.000000000e-01, v5  }
0x130: {  	[tilespmem:$0x1FCD0] =	vst v1;
	v9 =	vmul.f32 v40, v40;
	v3 =	vmul.f32 v45, v45;
	v8 =	vmovc v1;
	v1 =	vsub.s32 $0x5F3759DF, v6  }
0x131: {  	v34 =	vadd.f32 v51, v42;
	v7 =	vmul.f32 v55, v55;
	v11 =	vmul.f32 v1, v5  }
0x132: {  	v13 =	vmul.f32 v60, v60;
	v4 =	vadd.f32 v4, v9;
	v21 =	vmul.f32 v53, v53  }
0x133: {  	v2 =	vadd.f32 v2, v3;
	v7 =	vadd.f32 v7, v10;
	v63 =	vmul.f32 v1, v11  }
0x134: {  	v20 =	vadd.f32 v21, v26;
	v6 =	vmul.f32 v8, v8;
	v8 =	vadd.f32 v32, v13  }
0x135: {  	v32 =	vadd.f32 v62, v61;
	v61 =	vmul.f32 v0, v0;
	v0 =	vsub.f32 $1.500000000e+00, v63  }
0x136: {  	v35 =	vmul.f32 v51, v51;
	v4 =	vadd.f32 v4, v7;
	v21 =	vadd.f32 v27, v30  }
0x137: {  	v37 =	vadd.f32 v20, v19;
	v13 =	vadd.f32 v33, v34;
	v0 =	vmul.f32 v1, v0  }
0x138: {  	v62 =	vadd.f32 v35, v38;
	v33 =	vadd.f32 v29, v31  }
0x139: {  	v6 =	vadd.f32 v61, v6;
	v8 =	vadd.f32 v32, v8;
	v3 =	vmul.f32 v0, v5  }
0x13a: {  	v35 =	vadd.f32 v28, v62;
	v11 =	vadd.f32 v39, v13  }
0x13b: {  	v7 =	vadd.f32 v33, v8;
	v2 =	vadd.f32 v6, v2;
	v3 =	vmul.f32 v3, v0  }
0x13c: {  	v19 =	vld [tilespmem:$0x1FFB0];
	v63 =	vadd.f32 v22, v23;
	v5 =	vadd.f32 v12, v24  }
0x13d: {  	v38 =	vperm.xlane v11, v15;
	v2 =	vadd.f32 v2, v4;
	v3 =	vsub.f32 $1.500000000e+00, v3  }
0x13e: {  	v4 =	vsub.f32 v59, v36;
	v1 =	vadd.f32 v63, v21;
	v34 =	vperm.xlane v5, v15  }
0x13f: {  	v9 =	vperm.xlane v7, v15;
	v59 =	vadd.f32 v11, v38;
	v0 =	vmul.f32 v3, v0  }
0x140: {  	v33 =	vld [tilespmem:$0x1FF30];
	v6 =	vperm.xlane v1, v15;
	v3 =	vadd.f32 v5, v34;
	v5 =	vadd.f32 v37, v35  }
0x141: {  	v63 =	vperm.xlane v59, v18;
	v39 =	vmul.f32 v0, v19  }
0x142: {  	v1 =	vadd.f32 v1, v6;
	v6 =	vperm.xlane v2, v15;
	v61 =	vperm.xlane v5, v15  }
0x143: {  	v7 =	vadd.f32 v9, v7;
	v62 =	vperm.xlane v3, v18;
	v4 =	vmul.f32 v39, v4  }
0x144: {  	v32 =	vperm.xlane v1, v18;
	v2 =	vadd.f32 v6, v2;
	v5 =	vadd.f32 v61, v5  }
0x145: {  	v34 =	vperm.xlane v7, v18;
	v3 =	vadd.f32 v3, v62;
	v4 =	vadd.f32 v4, v33  }
0x146: {  	s3 =	sadd.s32 $0x200, s3;
	v6 =	vadd.f32 v59, v63;
	v1 =	vadd.f32 v1, v32;
	v35 =	vperm.xlane v5, v18  }
0x147: {  	v37 =	vperm.xlane v2, v18;
	v7 =	vadd.f32 v34, v7;
	[tilespmem:s3+$0xF0] =	vst v4;
	v4 =	vperm.xlane v3, v16  }
0x148: {  	v10 =	vperm.xlane v6, v16;
	v38 =	vperm.xlane v1, v16;
	v5 =	vadd.f32 v35, v5  }
0x149: {  	v2 =	vadd.f32 v37, v2;
	v3 =	vadd.f32 v3, v4;
	v4 =	vperm.xlane v7, v16  }
0x14a: {  	v6 =	vadd.f32 v6, v10;
	v1 =	vadd.f32 v1, v38;
	v39 =	vperm.xlane v5, v16  }
0x14b: {  	v59 =	vperm.xlane v3, v17;
	v4 =	vadd.f32 v4, v7;
	v7 =	vperm.xlane v2, v16  }
0x14c: {  	v10 =	vperm.xlane v6, v17;
	v61 =	vperm.xlane v1, v17;
	v5 =	vadd.f32 v39, v5  }
0x14d: {  	v3 =	vadd.f32 v3, v59;
	v62 =	vperm.xlane v4, v17;
	v2 =	vadd.f32 v7, v2  }
0x14e: {  	v6 =	vadd.f32 v6, v10;
	v1 =	vadd.f32 v1, v61;
	v7 =	vperm.xlane v5, v17  }
0x14f: {  	v28 =	vld [tilespmem:$0x1FF40];
	v3 =	vmul.f32 $7.812500000e-03, v3;
	v4 =	vadd.f32 v62, v4;
	v63 =	vperm.xlane v2, v17  }
0x150: {  	v6 =	vmul.f32 $7.812500000e-03, v6;
	v35 =	vld [tilespmem:$0x1FF70];
	v1 =	vmul.f32 $7.812500000e-03, v1;
	v7 =	vadd.f32 v7, v5  }
0x151: {  	v33 =	vld [tilespmem:$0x1FF50];
	v4 =	vmul.f32 $7.812500000e-03, v4;
	v12 =	vmul.f32 v3, v3;
	v2 =	vadd.f32 v63, v2  }
0x152: {  	v13 =	vmul.f32 v6, v6;
	v7 =	vmul.f32 $7.812500000e-03, v7  }
0x153: {  	v14 =	vmul.f32 v1, v1;
	v4 =	vsub.f32 v4, v12;
	v2 =	vmul.f32 $7.812500000e-03, v2  }
0x154: {  	v5 =	vmul.f32 v0, v28;
	v7 =	vsub.f32 v7, v13  }
0x155: {  	v32 =	vmul.f32 v0, v35;
	v4 =	vadd.f32 $9.999999960e-13, v4;
	v2 =	vsub.f32 v2, v14  }
0x156: {  	v61 =	vsub.f32 v60, v3;
	[tilespmem:$0x1FD60] =	vst v5;
	v5 =	vmul.f32 v0, v33;
	v7 =	vadd.f32 $9.999999960e-13, v7  }
0x157: {  	v14 =	vld [tilespmem:$0x1FF80];
	v37 =	vshra.s32 v4, $0x1;
	v9 =	vmul.f32 $5.000000000e-01, v4;
	v2 =	vadd.f32 $9.999999960e-13, v2  }
0x158: {  	v60 =	vld [tilespmem:$0x1FFA0];
	v4 =	vshra.s32 v7, $0x1;
	v7 =	vmul.f32 $5.000000000e-01, v7;
	v8 =	vsub.s32 $0x5F3759DF, v37  }
0x159: {  	[tilespmem:$0x1FD70] =	vst v5;
	v5 =	vld [tilespmem:$0x1FF60];
	v10 =	vsub.s32 $0x5F3759DF, v4;
	v4 =	vshra.s32 v2, $0x1;
	v38 =	vmul.f32 v8, v9  }
0x15a: {  	[tilespmem:$0x1FD90] =	vst v32;
	v39 =	vmul.f32 v10, v7;
	v32 =	vsub.s32 $0x5F3759DF, v4;
	v4 =	vld [tilespmem:$0x1FF90]  }
0x15b: {  	v2 =	vmul.f32 $5.000000000e-01, v2;
	v11 =	vmul.f32 v8, v38  }
0x15c: {  	v34 =	vmul.f32 v0, v14;
	v12 =	vmul.f32 v10, v39  }
0x15d: {  	v62 =	vmul.f32 v0, v60;
	v37 =	vsub.f32 $1.500000000e+00, v11  }
0x15e: {  	v15 =	vmul.f32 v0, v5;
	[tilespmem:$0x1FDA0] =	vst v34;
	v34 =	vmul.f32 v32, v2;
	v38 =	vsub.f32 $1.500000000e+00, v12  }
0x15f: {  	v63 =	vmul.f32 v0, v4;
	v0 =	vmul.f32 v8, v37  }
0x160: {  	[tilespmem:$0x1FD80] =	vst v15;
	v15 =	vmul.f32 v32, v34;
	v10 =	vmul.f32 v10, v38  }
0x161: {  	v18 =	vsub.f32 v51, v6;
	v9 =	vmul.f32 v0, v9  }
0x162: {  	v20 =	vsub.f32 v46, v6;
	v15 =	vsub.f32 $1.500000000e+00, v15;
	v7 =	vmul.f32 v10, v7  }
0x163: {  	v21 =	vsub.f32 v56, v6;
	v22 =	vsub.f32 v57, v6;
	v9 =	vmul.f32 v9, v0  }
0x164: {  	v23 =	vsub.f32 v49, v6;
	v13 =	vmul.f32 v32, v15;
	v7 =	vmul.f32 v7, v10  }
0x165: {  	v25 =	vsub.f32 v40, v1;
	v9 =	vsub.f32 $1.500000000e+00, v9  }
0x166: {  	v16 =	vsub.f32 v41, v3;
	v41 =	vld [tilespmem:$0x1FCC0];
	v2 =	vmul.f32 v13, v2;
	v7 =	vsub.f32 $1.500000000e+00, v7  }
0x167: {  	v59 =	vsub.f32 v58, v3;
	v17 =	vsub.f32 v54, v3;
	v39 =	vld [tilespmem:$0x1FCB0];
	v0 =	vmul.f32 v9, v0  }
0x168: {  	v58 =	vsub.f32 v52, v6;
	v2 =	vmul.f32 v2, v13;
	v7 =	vmul.f32 v7, v10  }
0x169: {  	v11 =	vsub.f32 v43, v3;
	v24 =	vmul.f32 v0, v33;
	v26 =	vmul.f32 v0, v5  }
0x16a: {  	v2 =	vsub.f32 $1.500000000e+00, v2;
	v27 =	vmul.f32 v0, v35;
	v30 =	vmul.f32 v0, v14  }
0x16b: {  	v56 =	vld [tilespmem:$0x1FCF0];
	v8 =	vsub.f32 v41, v3;
	v31 =	vmul.f32 v0, v4;
	v38 =	vmul.f32 v0, v60  }
0x16c: {  	v54 =	vld [tilespmem:$0x1FCD0];
	v12 =	vsub.f32 v39, v3;
	v39 =	vmul.f32 v7, v28;
	v2 =	vmul.f32 v2, v13  }
0x16d: {  	v57 =	vld [tilespmem:$0x1FD00];
	v3 =	vsub.f32 v44, v3;
	v41 =	vmul.f32 v7, v33;
	v40 =	vmul.f32 v7, v5  }
0x16e: {  	v44 =	vsub.f32 v48, v1;
	v49 =	vmul.f32 v2, v33;
	v33 =	vmul.f32 v2, v5;
	v5 =	vld [tilespmem:$0x1FD20]  }
0x16f: {  	v10 =	vsub.f32 v55, v1;
	v55 =	vld [tilespmem:$0x1FCE0];
	v43 =	vmul.f32 v7, v4;
	v46 =	vmul.f32 v7, v60  }
0x170: {  	v32 =	vsub.f32 v45, v1;
	v13 =	vmul.f32 v0, v28;
	v48 =	vmul.f32 v2, v28;
	v28 =	vld [tilespmem:$0x1FD10]  }
0x171: {  	v45 =	vsub.f32 v54, v1;
	v0 =	vmul.f32 v0, v19;
	v54 =	vmul.f32 v2, v4;
	v4 =	vld [tilespmem:$0x1FD30]  }
0x172: {  	v34 =	vsub.f32 v56, v36;
	v56 =	vmul.f32 v2, v60;
	v60 =	vmul.f32 v24, v59;
	v24 =	vld [tilespmem:$0x1FF00]  }
0x173: {  	v0 =	vmul.f32 v0, v3;
	v3 =	vld [tilespmem:$0x1FEE0];
	v52 =	vsub.f32 v5, v36;
	v5 =	vmul.f32 v13, v61  }
0x174: {  	v61 =	vmul.f32 v26, v16;
	v16 =	vmul.f32 v27, v17;
	v17 =	vld [tilespmem:$0x1FEC0]  }
0x175: {  	v29 =	vsub.f32 v50, v1;
	v9 =	vsub.f32 v47, v1;
	v59 =	vmul.f32 v41, v18;
	v18 =	vld [tilespmem:$0x1FF30]  }
0x176: {  	v1 =	vsub.f32 v55, v1;
	v55 =	vsub.f32 v4, v36;
	v4 =	vld [tilespmem:$0x1FD40]  }
0x177: {  	v26 =	vld [tilespmem:$0x1FF10]  }
0x178: {  	v37 =	vmul.f32 v7, v14;
	v27 =	vld [tilespmem:$0x1FF20]  }
0x179: {  	v15 =	vsub.f32 v42, v6;
	v42 =	vmul.f32 v7, v35;
	v5 =	vadd.f32 v5, v17;
	v17 =	vld [tilespmem:$0x1FED0]  }
0x17a: {  	v7 =	vmul.f32 v7, v19;
	v3 =	vadd.f32 v61, v3;
	v61 =	vmul.f32 v37, v21;
	v21 =	vld [tilespmem:$0x1FED0]  }
0x17b: {  	v6 =	vsub.f32 v53, v6;
	v12 =	vmul.f32 v30, v12;
	v8 =	vmul.f32 v31, v8;
	[tilespmem:s3+$0xFFFFFF00] =	vst v5;
	v5 =	vld [tilespmem:$0x1FEF0]  }
0x17c: {  	v47 =	vsub.f32 v57, v36;
	v37 =	vmul.f32 v54, v44;
	v44 =	vmul.f32 v56, v45;
	v56 =	vld [tilespmem:$0x1FD60]  }
0x17d: {  	v11 =	vmul.f32 v38, v11;
	v53 =	vmul.f32 v2, v14;
	v57 =	vsub.f32 v4, v36;
	v4 =	vld [tilespmem:$0x1FD50]  }
0x17e: {  	v51 =	vmul.f32 v2, v35;
	v13 =	vadd.f32 v60, v17;
	v17 =	vmul.f32 v42, v20;
	v20 =	vld [tilespmem:$0x1FEC0]  }
0x17f: {  	v0 =	vadd.f32 v0, v18;
	v42 =	vmul.f32 v53, v32;
	v53 =	vadd.f32 v59, v21;
	v59 =	vld [tilespmem:$0x1FD80]  }
0x180: {  	[tilespmem:s3+$0xFFFFFF20] =	vst v3;
	v3 =	vadd.f32 v12, v24;
	v60 =	vadd.f32 v16, v5;
	v5 =	vmul.f32 v43, v22;
	v22 =	vld [tilespmem:$0x1FEE0]  }
0x181: {  	[tilespmem:s3+$0xFFFFFF70] =	vst v0;
	v8 =	vadd.f32 v8, v26;
	v16 =	vmul.f32 v40, v58;
	v40 =	vmul.f32 v46, v23;
	v23 =	vld [tilespmem:$0x1FEF0]  }
0x182: {  	v2 =	vmul.f32 v2, v19;
	v35 =	vmul.f32 v39, v15;
	[tilespmem:s3+$0xFFFFFF40] =	vst v3;
	v58 =	vld [tilespmem:$0x1FD70]  }
0x183: {  	s12 =	sadd.s32 $0x4, s12;
	v41 =	vmul.f32 v48, v9;
	v3 =	vadd.f32 v11, v27;
	[tilespmem:s3+$0xFFFFFF50] =	vst v8;
	v46 =	vadd.f32 v61, v24;
	v61 =	vld [tilespmem:$0x1FDA0]  }
0x184: {  	p1 =	slt.u32 s12, $0xC4;
	v39 =	vmul.f32 v49, v10;
	v38 =	vmul.f32 v51, v29;
	[tilespmem:s3+$0xFFFFFF30] =	vst v60;
	v60 =	vld [tilespmem:$0x1FD90]  }
.Ltmp2:
0x185: {  	v50 =	vsub.f32 v28, v36;
	v45 =	vmul.f32 v56, v34;
	v30 =	vmul.f32 v63, v57;
	[tilespmem:s3+$0xFFFFFF60] =	vst v3;
	(pc) =	sbr.rel @p1 .LBB2_3-.Ltmp2, $4  }
0x186: {  	v28 =	vsub.f32 v4, v36;
	v36 =	vmul.f32 v7, v6;
	[tilespmem:s3+$0xFFFFFF10] =	vst v13;
	v3 =	vadd.f32 v35, v20  }
0x187: {  	v43 =	vmul.f32 v33, v25;
	v33 =	vmul.f32 v2, v1;
	[tilespmem:s3+$0xFFFFFF90] =	vst v53;
	v54 =	vadd.f32 v16, v22  }
0x188: {  	v31 =	vmul.f32 v59, v50;
	[tilespmem:s3+$0xFFFFFF80] =	vst v3;
	v34 =	vmul.f32 v58, v47  }
0x189: {  	s14 =	sadd.s32 $0x200, s14;
	v47 =	vadd.f32 v17, v23;
	v32 =	vmul.f32 v61, v55;
	v29 =	vmul.f32 v60, v52;
	[tilespmem:s3+$0xFFFFFFA0] =	vst v54  }
0x18a: {  	v0 =	vadd.f32 v5, v26;
	[tilespmem:s3+$0xFFFFFFC0] =	vst v46  }
0x18b: {  	v1 =	vadd.f32 v40, v27;
	[tilespmem:s3+$0xFFFFFFB0] =	vst v47  }
0x18c: {  	v2 =	vadd.f32 v36, v18;
	[tilespmem:s3+$0xFFFFFFD0] =	vst v0  }
0x18d: {  	v12 =	vadd.f32 v41, v20;
	[tilespmem:s3+$0xFFFFFFE0] =	vst v1  }
0x18e: {  	v13 =	vadd.f32 v39, v21;
	[tilespmem:s3+$0xFFFFFFF0] =	vst v2  }
0x18f: {  	v14 =	vadd.f32 v43, v22;
	[tilespmem:s3+$0x0] =	vst v12  }
0x190: {  	v15 =	vadd.f32 v38, v23;
	[tilespmem:s3+$0x10] =	vst v13  }
0x191: {  	v35 =	vadd.f32 v42, v24;
	[tilespmem:s3+$0x20] =	vst v14  }
0x192: {  	v36 =	vadd.f32 v37, v26;
	[tilespmem:s3+$0x30] =	vst v15  }
0x193: {  	v37 =	vadd.f32 v44, v27;
	[tilespmem:s3+$0x40] =	vst v35  }
0x194: {  	v38 =	vadd.f32 v33, v18;
	[tilespmem:s3+$0x50] =	vst v36  }
0x195: {  	v39 =	vadd.f32 v45, v20;
	[tilespmem:s3+$0x60] =	vst v37  }
0x196: {  	v40 =	vadd.f32 v34, v21;
	[tilespmem:s3+$0x70] =	vst v38  }
0x197: {  	v41 =	vadd.f32 v31, v22;
	[tilespmem:s3+$0x80] =	vst v39  }
0x198: {  	v44 =	vadd.f32 v30, v26;
	[tilespmem:s3+$0x90] =	vst v40  }
0x199: {  	v43 =	vmul.f32 v62, v28;
	v42 =	vadd.f32 v29, v23;
	[tilespmem:s3+$0xA0] =	vst v41  }
0x19a: {  	s12 =	sadd.s32 s8, s5;
	v3 =	vadd.f32 v32, v24;
	[tilespmem:s3+$0xD0] =	vst v44  }
0x19b: {  	s12 =	smul.u32 $0xC80, s12;
	v0 =	vadd.f32 v43, v27;
	[tilespmem:s3+$0xB0] =	vst v42  }
0x19c: {  	p1 =	seq.s32 s2, $0xF;
	[tilespmem:s3+$0xC0] =	vst v3  }
0x19d: {  	s14 =	sadd.s32 s6, s12;
	s12 =	smul.u32 @!p1 $0x640, s2;
	[tilespmem:s3+$0xE0] =	vst v0  }
0x19e: {  	[hbm4b:s14+s7] =	stream.linear.scatter [tilespmem:s28], [sflag:$0x3], $0x6400, $0x38;
	[tilespmem:$0x1BA80] =	vst v63  }
0x19f: {  	s3 =	sshra.s32 @!p1 s12, $0x2  }
0x1a0: {  	s16 =	simm.s32 @!p1 $0x1900;
	s14 =	simm.s32 @!p1 $0x68;
	s12 =	sadd.s32 @!p1 $0x190, s3  }
0x1a1: {  	[tilespmem:s16], [sflag:$0x1] =	stream.indirect.gather @!p1 [hbm4b:s1+s14], $0x80, s12, s14, $0xb8;
	[tilespmem:$0x1BA80] =	vst v63  }
0x1a2: {  	s3 =	sadd.s32 @!p1 $0x1F8, s3;
	s12 =	simm.s32 @!p1 $0x60;
	s14 =	simm.s32 @!p1 $0x4D00  }
0x1a3: {  	[tilespmem:s14], [sflag:$0x1] =	stream.indirect.gather @!p1 [hbm4b:s1+s12], $0x80, s3, s12, $0xb8;
	[tilespmem:$0x1BA80] =	vst v63  }
0x1a4: {  	_ =	swait.ge [sflag:s29], $0x3400  }
0x1a5: {  	[sflag:s29] =	ssyncset.done $0x0  }
0x1a6: {  	[sflag:s29] =	ssyncadd.s32 $0xFFFFCC00  }
0x1a7: {  	_ =	swait.ge [sflag:s29], $0x3000  }
0x1a8: {  	[sflag:s29] =	ssyncset.done $0x0  }
0x1a9: {  	s12 =	simm.s32 @!p0 $0x4;
	[sflag:s29] =	ssyncadd.s32 $0xFFFFD000  }
0x1aa: {  	s3 =	sor.u32 $0x1, s5;
	_ =	swait.ge @!p0 [sflag:s12], $0x6400  }
0x1ab: {  	s5 =	sshll.u32 s3, $0x7;
	[sflag:s12] =	ssyncset.done @!p0 $0x0  }
0x1ac: {  	s5 =	sand.u32 $0x3FFFFF80, s5;
	[sflag:s12] =	ssyncadd.s32 @!p0 $0xFFFF9C00  }
0x1ad: {  	v30 =	vld [tilespmem:s5+$0x1A980]  }
0x1ae: {  	v29 =	vld [tilespmem:s5+$0x1A990]  }
0x1af: {  	v37 =	vld [tilespmem:s5+$0x1A9A0]  }
0x1b0: {  	v38 =	vld [tilespmem:s5+$0x1A9B0]  }
0x1b1: {  	v39 =	vld [tilespmem:s5+$0x1A9C0]  }
0x1b2: {  	v60 =	vld [tilespmem:s5+$0x1A9D0]  }
0x1b3: {  	v61 =	vld [tilespmem:s5+$0x1A9E0]  }
0x1b4: {  	s16 =	simm.s32 $0x7E00;
	v62 =	vld [tilespmem:s5+$0x1A9F0]  }
0x1b5: {  	v45 =	vld [tilespmem:s16+$0x80]  }
0x1b6: {  	v46 =	vld [tilespmem:s16+$0x90]  }
0x1b7: {  	v47 =	vld [tilespmem:s16+$0xA0]  }
0x1b8: {  	v3 =	vld [tilespmem:s16+$0xB0]  }
0x1b9: {  	v4 =	vld [tilespmem:s16+$0xC0]  }
0x1ba: {  	v5 =	vld [tilespmem:s16+$0xD0]  }
0x1bb: {  	v6 =	vld [tilespmem:s16+$0xE0]  }
0x1bc: {  	v7 =	vld [tilespmem:s16+$0xF0]  }
0x1bd: {  	v8 =	vld [tilespmem:s16+$0xFFFFFF10]  }
0x1be: {  	v9 =	vld [tilespmem:s16+$0xFFFFFF20];
	v16 =	vadd.f32 v4, v39  }
0x1bf: {  	v48 =	vld [tilespmem:s16+$0xFFFFFF30];
	v18 =	vadd.f32 v5, v60  }
0x1c0: {  	v49 =	vld [tilespmem:s16+$0xFFFFFF40];
	v34 =	vadd.f32 v45, v30;
	[tilespmem:$0x1FC80] =	vst v16  }
0x1c1: {  	v25 =	vadd.f32 v6, v61;
	v36 =	vadd.f32 v7, v62;
	[tilespmem:$0x1FC90] =	vst v18  }
0x1c2: {  	v33 =	vadd.f32 v46, v29;
	v32 =	vadd.f32 v47, v37;
	v50 =	vld [tilespmem:s16+$0xFFFFFF50]  }
0x1c3: {  	v31 =	vadd.f32 v3, v38;
	v14 =	vadd.f32 v36, v25;
	v19 =	vmul.f32 v25, v25;
	[tilespmem:$0x1FCA0] =	vst v25;
	v25 =	vld [tilespmem:$0x1FFC0]  }
0x1c4: {  	v4 =	vadd.f32 v33, v34;
	v3 =	vld [tilespmem:s16+$0xFFFFFF60]  }
0x1c5: {  	v5 =	vadd.f32 v31, v32;
	v6 =	vmul.f32 v34, v34;
	v11 =	vmul.f32 v33, v33;
	v7 =	vld [tilespmem:s16+$0xFFFFFF70]  }
0x1c6: {  	v10 =	vadd.f32 v18, v16;
	v12 =	vmul.f32 v32, v32;
	v15 =	vmul.f32 v31, v31;
	v13 =	vld [tilespmem:s16+$0xFFFFFF80]  }
0x1c7: {  	v42 =	vadd.f32 v8, v29;
	v16 =	vmul.f32 v16, v16;
	v18 =	vmul.f32 v18, v18;
	v17 =	vld [tilespmem:s16+$0xFFFFFF90]  }
0x1c8: {  	v58 =	vmul.f32 v36, v36;
	v35 =	vld [tilespmem:s16+$0xFFFFFFA0];
	v4 =	vadd.f32 v5, v4;
	v5 =	vadd.f32 v14, v10  }
0x1c9: {  	v14 =	vld [tilespmem:s16+$0xFFFFFFB0];
	v6 =	vadd.f32 v11, v6;
	v59 =	vadd.f32 v15, v12  }
0x1ca: {  	v12 =	vld [tilespmem:s16+$0xFFFFFFC0];
	v63 =	vadd.f32 v18, v16;
	v10 =	vadd.f32 v58, v19  }
0x1cb: {  	v52 =	vadd.f32 v48, v38;
	v47 =	vadd.f32 v49, v39;
	v8 =	vld [tilespmem:s16+$0xFFFFFFD0]  }
0x1cc: {  	v0 =	vld [tilespmem:s16+$0xFFFFFFF0];
	v6 =	vadd.f32 v59, v6;
	v10 =	vadd.f32 v10, v63  }
0x1cd: {  	v58 =	vadd.f32 v9, v37;
	v1 =	vld [tilespmem:s16+$0x0];
	v4 =	vadd.f32 v5, v4  }
0x1ce: {  	v41 =	vld [tilespmem:s16+$0x30];
	v6 =	vadd.f32 v10, v6;
	v56 =	vadd.f32 v50, v60  }
0x1cf: {  	v5 =	vld [tilespmem:s16+$0xFFFFFFE0];
	v48 =	vadd.f32 v3, v61;
	v43 =	vadd.f32 v7, v62  }
0x1d0: {  	v63 =	vld [tilespmem:$0x1FFD0];
	v53 =	vadd.f32 v13, v30;
	v44 =	vadd.f32 v17, v29  }
0x1d1: {  	v3 =	vld [tilespmem:s16+$0x20];
	v49 =	vadd.f32 v35, v37;
	v59 =	vadd.f32 v14, v38  }
0x1d2: {  	v15 =	vperm.xlane v4, v25;
	v13 =	vld [tilespmem:s16+$0x40];
	v54 =	vadd.f32 v12, v39;
	v50 =	vadd.f32 v8, v60  }
0x1d3: {  	v12 =	vld [tilespmem:s16+$0x50];
	v51 =	vadd.f32 v0, v62;
	v45 =	vadd.f32 v1, v30  }
0x1d4: {  	v8 =	vld [tilespmem:s16+$0x60];
	v40 =	vadd.f32 v41, v38;
	v4 =	vadd.f32 v4, v15;
	v7 =	vperm.xlane v6, v25  }
0x1d5: {  	v0 =	vld [tilespmem:s16+$0x70];
	v15 =	vmul.f32 v47, v47;
	v14 =	vmul.f32 v56, v56;
	v57 =	vadd.f32 v5, v61  }
0x1d6: {  	v1 =	vld [tilespmem:s16+$0xFFFFFF00];
	v16 =	vadd.f32 v50, v54;
	v46 =	vperm.xlane v4, v63;
	v6 =	vadd.f32 v7, v6  }
0x1d7: {  	v14 =	vadd.f32 v14, v15;
	v19 =	vadd.f32 v51, v57  }
0x1d8: {  	v2 =	vld [tilespmem:s16+$0x10];
	v28 =	vmul.f32 v58, v58;
	[tilespmem:$0x1FC10] =	vst v37;
	v4 =	vadd.f32 v4, v46;
	v46 =	vadd.f32 v3, v37  }
0x1d9: {  	v9 =	vld [tilespmem:$0x1FFE0];
	v10 =	vmul.f32 v42, v42;
	[tilespmem:$0x1FC30] =	vst v39;
	v41 =	vadd.f32 v13, v39;
	v39 =	vadd.f32 v12, v60  }
0x1da: {  	[tilespmem:$0x1FC20] =	vst v38;
	v7 =	vmul.f32 v52, v52;
	v37 =	vadd.f32 v8, v61;
	v38 =	vadd.f32 v0, v62  }
0x1db: {  	[tilespmem:$0x1FC40] =	vst v60;
	v55 =	vperm.xlane v6, v63;
	v60 =	vadd.f32 v1, v30;
	v8 =	vadd.f32 v56, v47  }
0x1dc: {  	v15 =	vmul.f32 v57, v57;
	v0 =	vadd.f32 v43, v48;
	v7 =	vadd.f32 v7, v28  }
0x1dd: {  	v12 =	vld [tilespmem:$0x1FFF0];
	v28 =	vmul.f32 v50, v50;
	v16 =	vadd.f32 v19, v16;
	v6 =	vadd.f32 v55, v6  }
0x1de: {  	v19 =	vmul.f32 v45, v45;
	v5 =	vperm.xlane v4, v9;
	v55 =	vadd.f32 v2, v29  }
0x1df: {  	[tilespmem:$0x1FC00] =	vst v29;
	v29 =	vmul.f32 v48, v48;
	v11 =	vadd.f32 v42, v60;
	v3 =	vperm.xlane v6, v9  }
0x1e0: {  	v2 =	vmul.f32 v44, v44;
	v18 =	vmul.f32 v60, v60;
	v35 =	vadd.f32 v4, v5  }
0x1e1: {  	v8 =	vadd.f32 v0, v8;
	v0 =	vmul.f32 v54, v54;
	v3 =	vadd.f32 v3, v6  }
0x1e2: {  	v4 =	vadd.f32 v52, v58;
	v10 =	vadd.f32 v10, v18;
	v5 =	vperm.xlane v35, v12  }
0x1e3: {  	v18 =	vadd.f32 v39, v41;
	v28 =	vadd.f32 v28, v0;
	v13 =	vperm.xlane v3, v12  }
0x1e4: {  	[tilespmem:$0x1FC60] =	vst v62;
	v0 =	vmul.f32 v40, v40;
	v6 =	vmul.f32 v43, v43;
	v62 =	vadd.f32 v35, v5  }
0x1e5: {  	[tilespmem:$0x1FC50] =	vst v61;
	v7 =	vadd.f32 v7, v10;
	v5 =	vmul.f32 v53, v53;
	v61 =	vadd.f32 v13, v3  }
0x1e6: {  	v35 =	vmul.f32 $7.812500000e-03, v62;
	v3 =	vadd.f32 v44, v53;
	v13 =	vadd.f32 v59, v49  }
0x1e7: {  	v2 =	vadd.f32 v2, v5;
	v5 =	vmul.f32 v55, v55;
	v1 =	vmul.f32 $7.812500000e-03, v61  }
0x1e8: {  	v17 =	vmul.f32 v35, v35;
	v61 =	vadd.f32 v55, v45;
	v3 =	vadd.f32 v13, v3  }
0x1e9: {  	v62 =	vmul.f32 v49, v49;
	v13 =	vadd.f32 v38, v37;
	v5 =	vadd.f32 v5, v19  }
0x1ea: {  	[tilespmem:$0x1FC70] =	vst v30;
	v30 =	vsub.f32 v1, v17;
	v1 =	vadd.f32 v4, v11;
	v11 =	vmul.f32 v59, v59  }
0x1eb: {  	v17 =	vadd.f32 v40, v46;
	v4 =	vadd.f32 v6, v29;
	v6 =	vmul.f32 v51, v51  }
0x1ec: {  	v19 =	vmul.f32 v38, v38;
	v13 =	vadd.f32 v13, v18;
	v3 =	vadd.f32 v16, v3  }
0x1ed: {  	v11 =	vadd.f32 v11, v62;
	v62 =	vmul.f32 v46, v46;
	v6 =	vadd.f32 v6, v15  }
0x1ee: {  	v15 =	vmul.f32 v41, v41;
	v17 =	vadd.f32 v17, v61;
	v61 =	vmul.f32 v39, v39  }
0x1ef: {  	v18 =	vmul.f32 v37, v37;
	v10 =	vadd.f32 $9.999999960e-13, v30;
	v4 =	vadd.f32 v4, v14  }
0x1f0: {  	v29 =	vadd.f32 v0, v62;
	v15 =	vadd.f32 v61, v15  }
0x1f1: {  	v0 =	vadd.f32 v8, v1;
	v62 =	vadd.f32 v19, v18  }
0x1f2: {  	v2 =	vadd.f32 v11, v2;
	v6 =	vadd.f32 v6, v28;
	v14 =	vshra.s32 v10, $0x1  }
0x1f3: {  	v1 =	vmul.f32 $5.000000000e-01, v10;
	v10 =	vadd.f32 v13, v17;
	v4 =	vadd.f32 v4, v7  }
0x1f4: {  	v5 =	vadd.f32 v29, v5;
	v13 =	vperm.xlane v0, v25;
	v7 =	vadd.f32 v62, v15  }
0x1f5: {  	v61 =	vperm.xlane v3, v25;
	v2 =	vadd.f32 v6, v2;
	v6 =	vperm.xlane v10, v25  }
0x1f6: {  	v0 =	vadd.f32 v0, v13;
	v5 =	vadd.f32 v7, v5;
	v7 =	vperm.xlane v4, v25  }
0x1f7: {  	v3 =	vadd.f32 v3, v61;
	v62 =	vperm.xlane v2, v25;
	v6 =	vadd.f32 v10, v6  }
0x1f8: {  	v13 =	vperm.xlane v5, v25;
	v11 =	vperm.xlane v0, v63;
	v4 =	vadd.f32 v7, v4  }
0x1f9: {  	v7 =	vperm.xlane v3, v63;
	v2 =	vadd.f32 v62, v2;
	v15 =	vperm.xlane v6, v63  }
0x1fa: {  	v0 =	vadd.f32 v0, v11;
	v61 =	vperm.xlane v4, v63;
	v5 =	vadd.f32 v13, v5  }
0x1fb: {  	v3 =	vadd.f32 v3, v7;
	v7 =	vperm.xlane v2, v63;
	v6 =	vadd.f32 v6, v15  }
0x1fc: {  	v62 =	vperm.xlane v0, v9;
	v4 =	vadd.f32 v61, v4;
	v10 =	vperm.xlane v5, v63  }
0x1fd: {  	v63 =	vperm.xlane v3, v9;
	v2 =	vadd.f32 v7, v2;
	v7 =	vperm.xlane v6, v9  }
0x1fe: {  	v0 =	vadd.f32 v0, v62;
	v13 =	vperm.xlane v4, v9;
	v5 =	vadd.f32 v10, v5  }
0x1ff: {  	v3 =	vadd.f32 v3, v63;
	v15 =	vperm.xlane v2, v9;
	v6 =	vadd.f32 v6, v7  }
0x200: {  	v7 =	vperm.xlane v0, v12;
	v4 =	vadd.f32 v13, v4;
	v61 =	vperm.xlane v5, v9  }
0x201: {  	v11 =	vperm.xlane v3, v12;
	v2 =	vadd.f32 v15, v2;
	v62 =	vperm.xlane v6, v12  }
0x202: {  	v0 =	vadd.f32 v0, v7;
	v7 =	vperm.xlane v4, v12;
	v5 =	vadd.f32 v61, v5  }
0x203: {  	v3 =	vadd.f32 v3, v11;
	v63 =	vperm.xlane v2, v12;
	v6 =	vadd.f32 v6, v62  }
0x204: {  	v0 =	vmul.f32 $7.812500000e-03, v0;
	v4 =	vadd.f32 v7, v4;
	v7 =	vperm.xlane v5, v12  }
0x205: {  	v3 =	vmul.f32 $7.812500000e-03, v3;
	v2 =	vadd.f32 v63, v2;
	v6 =	vmul.f32 $7.812500000e-03, v6  }
0x206: {  	v8 =	vsub.s32 $0x5F3759DF, v14;
	v4 =	vmul.f32 $7.812500000e-03, v4;
	v12 =	vmul.f32 v0, v0  }
0x207: {  	v5 =	vadd.f32 v7, v5;
	v2 =	vmul.f32 $7.812500000e-03, v2;
	v7 =	vmul.f32 v3, v3  }
0x208: {  	v13 =	vmul.f32 v8, v1;
	v4 =	vsub.f32 v4, v12  }
0x209: {  	v14 =	vmul.f32 v6, v6;
	v5 =	vmul.f32 $7.812500000e-03, v5;
	v2 =	vsub.f32 v2, v7  }
0x20a: {  	v7 =	vmul.f32 v8, v13;
	v4 =	vadd.f32 $9.999999960e-13, v4  }
0x20b: {  	v5 =	vsub.f32 v5, v14;
	v2 =	vadd.f32 $9.999999960e-13, v2  }
0x20c: {  	v7 =	vsub.f32 $1.500000000e+00, v7;
	v15 =	vshra.s32 v4, $0x1  }
0x20d: {  	v4 =	vmul.f32 $5.000000000e-01, v4;
	v5 =	vadd.f32 $9.999999960e-13, v5;
	v61 =	vshra.s32 v2, $0x1  }
0x20e: {  	v2 =	vmul.f32 $5.000000000e-01, v2;
	v9 =	vsub.s32 $0x5F3759DF, v15;
	v10 =	vsub.s32 $0x5F3759DF, v61  }
0x20f: {  	v62 =	vshra.s32 v5, $0x1;
	v5 =	vmul.f32 $5.000000000e-01, v5;
	v63 =	vmul.f32 v9, v4  }
0x210: {  	v7 =	vmul.f32 v8, v7;
	v61 =	vmul.f32 v10, v2;
	v11 =	vsub.s32 $0x5F3759DF, v62  }
0x211: {  	v62 =	vmul.f32 v11, v5;
	v12 =	vmul.f32 v9, v63  }
0x212: {  	v1 =	vmul.f32 v7, v1;
	v8 =	vmul.f32 v10, v61  }
0x213: {  	v13 =	vmul.f32 v11, v62;
	v12 =	vsub.f32 $1.500000000e+00, v12  }
0x214: {  	v1 =	vmul.f32 v1, v7;
	v8 =	vsub.f32 $1.500000000e+00, v8  }
0x215: {  	v61 =	vld [tilespmem:$0x1FFB0];
	v9 =	vmul.f32 v9, v12;
	v63 =	vsub.f32 $1.500000000e+00, v13  }
0x216: {  	v1 =	vsub.f32 $1.500000000e+00, v1;
	v8 =	vmul.f32 v10, v8  }
0x217: {  	v12 =	vmul.f32 v11, v63;
	v13 =	vmul.f32 v9, v4  }
0x218: {  	v4 =	vmul.f32 v1, v7;
	v14 =	vmul.f32 v8, v2  }
0x219: {  	v28 =	vld [tilespmem:$0x1FF50];
	v15 =	vmul.f32 v12, v5;
	v5 =	vmul.f32 v13, v9  }
0x21a: {  	v29 =	vld [tilespmem:$0x1FF60];
	v16 =	vsub.f32 v56, v0;
	v7 =	vsub.f32 v36, v35;
	v62 =	vmul.f32 v4, v61  }
0x21b: {  	v25 =	vld [tilespmem:$0x1FF40];
	v1 =	vmul.f32 v14, v8;
	v2 =	vmul.f32 v15, v12;
	v5 =	vsub.f32 $1.500000000e+00, v5  }
0x21c: {  	v7 =	vmul.f32 v62, v7;
	v62 =	vsub.f32 v47, v0;
	v47 =	vsub.f32 v53, v3;
	v53 =	vld [tilespmem:$0x1FFA0]  }
0x21d: {  	v30 =	vld [tilespmem:$0x1FF70];
	v1 =	vsub.f32 $1.500000000e+00, v1;
	v2 =	vsub.f32 $1.500000000e+00, v2  }
0x21e: {  	v17 =	vsub.f32 v48, v0;
	v63 =	vsub.f32 v60, v0;
	v5 =	vmul.f32 v5, v9  }
0x21f: {  	v56 =	vld [tilespmem:$0x1FF90];
	v36 =	vsub.f32 v42, v0;
	v1 =	vmul.f32 v1, v8;
	v2 =	vmul.f32 v2, v12  }
0x220: {  	v8 =	vsub.f32 v58, v0;
	v42 =	vmul.f32 v5, v25;
	v58 =	vmul.f32 v5, v28  }
0x221: {  	v18 =	vsub.f32 v49, v3;
	v60 =	vmul.f32 v5, v29;
	v48 =	vmul.f32 v5, v53  }
0x222: {  	v12 =	vsub.f32 v52, v0;
	v52 =	vld [tilespmem:$0x1FF80];
	v9 =	vmul.f32 v42, v63;
	v63 =	vmul.f32 v5, v30  }
0x223: {  	v19 =	vsub.f32 v59, v3;
	v11 =	vmul.f32 v58, v36;
	v8 =	vmul.f32 v60, v8  }
0x224: {  	v59 =	vsub.f32 v57, v3;
	v42 =	vmul.f32 v5, v56;
	v57 =	vmul.f32 v2, v28  }
0x225: {  	v54 =	vsub.f32 v54, v3;
	v15 =	vmul.f32 v48, v17;
	v17 =	vmul.f32 v1, v25  }
0x226: {  	v0 =	vsub.f32 v43, v0;
	v10 =	vmul.f32 v63, v12;
	v14 =	vmul.f32 v42, v16  }
0x227: {  	v58 =	vsub.f32 v50, v3;
	v63 =	vmul.f32 v1, v53;
	v36 =	vmul.f32 v5, v52  }
0x228: {  	v16 =	vsub.f32 v44, v3;
	v5 =	vmul.f32 v5, v61;
	v13 =	vmul.f32 v17, v47  }
0x229: {  	v3 =	vsub.f32 v51, v3;
	v17 =	vmul.f32 v1, v29;
	v60 =	vmul.f32 v1, v52  }
0x22a: {  	v47 =	vsub.f32 v55, v6;
	v12 =	vmul.f32 v36, v62;
	v0 =	vmul.f32 v5, v0  }
0x22b: {  	v11 =	vadd.f32 v11, v21;
	v5 =	vmul.f32 v1, v28;
	v17 =	vmul.f32 v17, v18  }
0x22c: {  	v49 =	vmul.f32 v60, v54;
	v60 =	vsub.f32 v39, v6;
	v39 =	vmul.f32 v57, v47;
	v47 =	vld [tilespmem:$0x1FF30]  }
0x22d: {  	v8 =	vadd.f32 v8, v22;
	v16 =	vmul.f32 v5, v16;
	v5 =	vmul.f32 v1, v30  }
0x22e: {  	v10 =	vadd.f32 v10, v23;
	v62 =	vmul.f32 v1, v56;
	v1 =	vmul.f32 v1, v61  }
0x22f: {  	s5 =	simm.s32 $0x14600;
	v18 =	vsub.f32 v45, v6;
	v54 =	vmul.f32 v2, v25;
	v19 =	vmul.f32 v5, v19  }
0x230: {  	[tilespmem:s5+$0xFFFFFF10] =	vst v11;
	v5 =	vmul.f32 v62, v58;
	v58 =	vsub.f32 v41, v6;
	v36 =	vmul.f32 v1, v3  }
0x231: {  	[tilespmem:s5+$0xFFFFFF20] =	vst v8;
	v41 =	vmul.f32 v54, v18;
	v18 =	vmul.f32 v2, v52;
	v1 =	vadd.f32 v7, v47  }
0x232: {  	v46 =	vsub.f32 v46, v6;
	[tilespmem:s5+$0xFFFFFF30] =	vst v10;
	v7 =	vadd.f32 v9, v20  }
0x233: {  	v51 =	vmul.f32 v4, v28;
	v42 =	vmul.f32 v18, v58;
	v18 =	vsub.f32 v33, v35;
	[tilespmem:s5+$0xF0] =	vst v1  }
0x234: {  	v55 =	vsub.f32 v40, v6;
	v40 =	vmul.f32 v63, v59;
	v59 =	vmul.f32 v2, v29;
	[tilespmem:s5+$0xFFFFFF00] =	vst v7  }
0x235: {  	v50 =	vsub.f32 v34, v35;
	v63 =	vmul.f32 v2, v56;
	v34 =	vmul.f32 v51, v18;
	v18 =	vld [tilespmem:$0x1FF30]  }
0x236: {  	v62 =	vmul.f32 v2, v30;
	v3 =	vsub.f32 v37, v6;
	v6 =	vsub.f32 v38, v6  }
0x237: {  	v54 =	vadd.f32 v12, v24;
	v7 =	vmul.f32 v2, v53;
	v2 =	vmul.f32 v2, v61  }
0x238: {  	v38 =	vmul.f32 v62, v55;
	v55 =	vadd.f32 v14, v26  }
0x239: {  	[tilespmem:s5+$0xFFFFFF40] =	vst v54;
	v33 =	vmul.f32 v2, v6;
	v6 =	vadd.f32 v15, v27  }
0x23a: {  	[tilespmem:s5+$0xFFFFFF50] =	vst v55;
	v0 =	vadd.f32 v0, v18  }
0x23b: {  	v48 =	vmul.f32 v4, v25;
	[tilespmem:s5+$0xFFFFFF60] =	vst v6  }
0x23c: {  	v43 =	vmul.f32 v59, v46;
	v59 =	vadd.f32 v13, v20;
	v8 =	vld [tilespmem:$0x1FC80];
	[tilespmem:s5+$0xFFFFFF70] =	vst v0  }
0x23d: {  	v45 =	vmul.f32 v48, v50;
	v10 =	vld [tilespmem:$0x1FC90]  }
0x23e: {  	v57 =	vmul.f32 v4, v29;
	v37 =	vmul.f32 v63, v60;
	[tilespmem:s5+$0xFFFFFF80] =	vst v59  }
0x23f: {  	v46 =	vadd.f32 v49, v24;
	v60 =	vmul.f32 v4, v56;
	v58 =	vmul.f32 v4, v30;
	v63 =	vld [tilespmem:$0x1FCA0]  }
0x240: {  	v62 =	vadd.f32 v17, v22;
	v44 =	vmul.f32 v7, v3;
	v3 =	vsub.f32 v32, v35  }
0x241: {  	v61 =	vadd.f32 v16, v21;
	v7 =	vsub.f32 v31, v35;
	v6 =	vmul.f32 v4, v52  }
0x242: {  	v31 =	vmul.f32 v57, v3;
	v8 =	vsub.f32 v8, v35;
	v10 =	vsub.f32 v10, v35  }
0x243: {  	v47 =	vadd.f32 v19, v23;
	v29 =	vmul.f32 v58, v7;
	[tilespmem:s5+$0xFFFFFFA0] =	vst v62;
	v62 =	vmul.f32 v4, v53  }
0x244: {  	s14 =	simm.s32 $0x8000;
	s12 =	simm.s32 $0x0;
	[tilespmem:s5+$0xFFFFFF90] =	vst v61;
	v32 =	vmul.f32 v6, v8;
	v28 =	vsub.f32 v63, v35;
	v30 =	vmul.f32 v60, v10  }
.LBB2_5:
0x245: {  	v7 =	vld [tilespmem:s14+$0xA0]  }
0x246: {  	v9 =	vld [tilespmem:s14+$0xB0]  }
0x247: {  	v11 =	vld [tilespmem:s14+$0xC0]  }
0x248: {  	v13 =	vld [tilespmem:s14+$0xD0]  }
0x249: {  	v15 =	vld [tilespmem:s14+$0xE0]  }
0x24a: {  	v1 =	vadd.f32 v5, v26;
	v17 =	vld [tilespmem:s14+$0xF0]  }
0x24b: {  	v2 =	vadd.f32 v40, v27;
	v61 =	vadd.f32 v38, v23;
	v19 =	vld [tilespmem:s14+$0xFFFFFF10]  }
0x24c: {  	v10 =	vadd.f32 v42, v24;
	v25 =	vld [tilespmem:$0x1FC40];
	v6 =	vadd.f32 v41, v20  }
0x24d: {  	v8 =	vadd.f32 v43, v22;
	v16 =	vadd.f32 v31, v22;
	v22 =	vld [tilespmem:$0x1FC10]  }
0x24e: {  	v5 =	vadd.f32 v36, v18;
	v63 =	vadd.f32 v29, v23;
	v23 =	vld [tilespmem:$0x1FC20]  }
0x24f: {  	v3 =	vmul.f32 v62, v28;
	[tilespmem:s5+$0x0] =	vst v6;
	v6 =	vadd.f32 v33, v18;
	v18 =	vadd.f32 v32, v24;
	v24 =	vld [tilespmem:$0x1FC30]  }
0x250: {  	v40 =	vadd.f32 v30, v26;
	[tilespmem:s5+$0xFFFFFFF0] =	vst v5;
	v5 =	vadd.f32 v37, v26;
	v26 =	vld [tilespmem:$0x1FC50]  }
0x251: {  	v12 =	vadd.f32 v44, v27;
	v3 =	vadd.f32 v3, v27;
	v27 =	vld [tilespmem:$0x1FC60]  }
0x252: {  	[tilespmem:s5+$0xFFFFFFC0] =	vst v46;
	v60 =	vadd.f32 v39, v21;
	v62 =	vadd.f32 v34, v21;
	v21 =	vld [tilespmem:$0x1FC00]  }
0x253: {  	v0 =	vld [tilespmem:s14+$0x80];
	[tilespmem:s5+$0xFFFFFFB0] =	vst v47;
	v14 =	vadd.f32 v45, v20;
	v28 =	vadd.f32 v13, v25  }
0x254: {  	v20 =	vld [tilespmem:$0x1FC70];
	[tilespmem:s5+$0xFFFFFFD0] =	vst v1;
	v45 =	vadd.f32 v7, v22;
	v30 =	vadd.f32 v9, v23  }
0x255: {  	v4 =	vld [tilespmem:s14+$0x90];
	[tilespmem:s5+$0xFFFFFFE0] =	vst v2;
	v31 =	vadd.f32 v11, v24;
	v29 =	vadd.f32 v15, v26  }
0x256: {  	v44 =	vld [tilespmem:s14+$0xFFFFFF30];
	[tilespmem:s5+$0x30] =	vst v61;
	v59 =	vadd.f32 v17, v27;
	v9 =	vadd.f32 v30, v45  }
0x257: {  	v41 =	vld [tilespmem:s14+$0xFFFFFF20];
	[tilespmem:$0x1FB70] =	vst v30;
	v17 =	vmul.f32 v30, v30;
	v30 =	vadd.f32 v19, v21;
	v19 =	vmul.f32 v28, v28  }
0x258: {  	v47 =	vld [tilespmem:s14+$0xFFFFFF70];
	[tilespmem:s5+$0x40] =	vst v10;
	v48 =	vadd.f32 v28, v31;
	v15 =	vadd.f32 v59, v29;
	v54 =	vmul.f32 v31, v31  }
0x259: {  	[tilespmem:s5+$0x60] =	vst v12;
	v51 =	vld [tilespmem:s14+$0xFFFFFF80];
	v42 =	vadd.f32 v0, v20;
	v55 =	vmul.f32 v29, v29;
	v56 =	vmul.f32 v59, v59  }
0x25a: {  	[tilespmem:s5+$0xA0] =	vst v16;
	v16 =	vld [tilespmem:s14+$0xFFFFFF90];
	v43 =	vadd.f32 v4, v21;
	v12 =	vadd.f32 v15, v48  }
0x25b: {  	[tilespmem:s5+$0x20] =	vst v8;
	v8 =	vld [tilespmem:s14+$0xFFFFFFA0];
	v58 =	vadd.f32 v19, v54;
	v15 =	vadd.f32 v56, v55  }
0x25c: {  	[tilespmem:s5+$0xC0] =	vst v18;
	v18 =	vld [tilespmem:s14+$0xFFFFFFB0];
	v4 =	vadd.f32 v43, v42  }
0x25d: {  	[tilespmem:s5+$0x10] =	vst v60;
	v60 =	vadd.f32 v15, v58;
	v15 =	vld [tilespmem:$0x1FFC0]  }
0x25e: {  	[tilespmem:s5+$0x50] =	vst v5;
	v5 =	vld [tilespmem:s14+$0xFFFFFF40];
	v46 =	vmul.f32 v42, v42;
	v49 =	vmul.f32 v43, v43;
	v9 =	vadd.f32 v9, v4  }
0x25f: {  	[tilespmem:s5+$0x70] =	vst v6;
	v6 =	vld [tilespmem:s14+$0xFFFFFF60];
	v50 =	vmul.f32 v45, v45  }
0x260: {  	v32 =	vld [tilespmem:s14+$0x20];
	v10 =	vadd.f32 v49, v46;
	v9 =	vadd.f32 v12, v9  }
0x261: {  	[tilespmem:s5+$0x90] =	vst v62;
	v57 =	vadd.f32 v17, v50;
	v46 =	vadd.f32 v18, v23;
	v18 =	vld [tilespmem:$0x1FFD0]  }
0x262: {  	v41 =	vadd.f32 v41, v22;
	v35 =	vld [tilespmem:s14+$0x30];
	[tilespmem:$0x1FB40] =	vst v42;
	v42 =	vadd.f32 v51, v20;
	v62 =	vperm.xlane v9, v15  }
0x263: {  	[tilespmem:s5+$0xB0] =	vst v63;
	v2 =	vld [tilespmem:s14+$0xFFFFFFC0];
	v51 =	vadd.f32 v16, v21;
	v10 =	vadd.f32 v57, v10  }
0x264: {  	[tilespmem:s5+$0xE0] =	vst v3;
	v3 =	vld [tilespmem:s14+$0xFFFFFFD0];
	v52 =	vadd.f32 v8, v22;
	v33 =	vmul.f32 v30, v30;
	v9 =	vadd.f32 v9, v62  }
0x265: {  	v7 =	vld [tilespmem:s14+$0xFFFFFF50];
	[tilespmem:$0x1FB80] =	vst v31;
	v61 =	vadd.f32 v5, v24;
	v31 =	vmul.f32 v41, v41;
	v10 =	vadd.f32 v60, v10  }
0x266: {  	v63 =	vld [tilespmem:s14+$0x10];
	[tilespmem:$0x1FB50] =	vst v43;
	v43 =	vadd.f32 v6, v26;
	v39 =	vadd.f32 v32, v22;
	v16 =	vperm.xlane v9, v18  }
0x267: {  	v5 =	vld [tilespmem:s14+$0xFFFFFFF0];
	v50 =	vadd.f32 v35, v23;
	v54 =	vadd.f32 v44, v23;
	v34 =	vperm.xlane v10, v15  }
0x268: {  	v35 =	vmul.f32 v42, v42;
	v44 =	vadd.f32 v47, v27;
	v9 =	vadd.f32 v9, v16;
	v16 =	vld [tilespmem:$0x1FFE0]  }
0x269: {  	v32 =	vmul.f32 v52, v52;
	v56 =	vadd.f32 v2, v24;
	v12 =	vld [tilespmem:s14+$0xFFFFFFE0];
	v10 =	vadd.f32 v34, v10  }
0x26a: {  	[tilespmem:$0x1FB10] =	vst v30;
	v38 =	vmul.f32 v61, v61;
	v57 =	vadd.f32 v3, v25;
	v58 =	vadd.f32 v7, v25;
	v7 =	vld [tilespmem:s14+$0x0]  }
0x26b: {  	v17 =	vld [tilespmem:$0x1FFF0];
	v4 =	vmovc v30;
	v37 =	vmul.f32 v43, v43;
	v55 =	vadd.f32 v63, v21;
	v62 =	vperm.xlane v10, v18  }
0x26c: {  	v6 =	vmovc v61;
	v3 =	vld [tilespmem:s14+$0x60];
	v23 =	vadd.f32 v50, v39;
	v30 =	vmul.f32 v54, v54;
	v11 =	vadd.f32 v44, v43  }
0x26d: {  	[tilespmem:$0x1FB20] =	vst v61;
	v61 =	vld [tilespmem:s14+$0x50];
	v53 =	vadd.f32 v5, v27;
	v10 =	vadd.f32 v62, v10;
	v63 =	vperm.xlane v9, v16  }
0x26e: {  	[tilespmem:s5+$0x80] =	vst v14;
	v14 =	vmul.f32 v44, v44;
	v60 =	vld [tilespmem:s14+$0x40];
	v8 =	vadd.f32 v58, v6;
	v49 =	vadd.f32 v12, v26  }
0x26f: {  	v47 =	vadd.f32 v7, v20;
	v7 =	vld [tilespmem:s14+$0xFFFFFF00];
	v13 =	vperm.xlane v10, v16;
	v12 =	vadd.f32 v9, v63  }
0x270: {  	[tilespmem:$0x1FB90] =	vst v28;
	v5 =	vld [tilespmem:s14+$0x70];
	v28 =	vmul.f32 v58, v58;
	v30 =	vadd.f32 v30, v31;
	v14 =	vadd.f32 v14, v37  }
0x271: {  	[tilespmem:s5+$0xD0] =	vst v40;
	v40 =	vadd.f32 v3, v26;
	v3 =	vadd.f32 v13, v10;
	v36 =	vperm.xlane v12, v17  }
0x272: {  	v21 =	vmul.f32 v57, v57;
	v48 =	vadd.f32 v61, v25;
	v8 =	vadd.f32 v11, v8  }
0x273: {  	v28 =	vadd.f32 v28, v38;
	v62 =	vperm.xlane v3, v17;
	v1 =	vadd.f32 v12, v36  }
0x274: {  	[tilespmem:$0x1FB60] =	vst v45;
	v11 =	vmul.f32 v40, v40;
	v45 =	vadd.f32 v60, v24;
	v60 =	vadd.f32 v7, v20  }
0x275: {  	v0 =	vadd.f32 v5, v27;
	v63 =	vadd.f32 v62, v3;
	v36 =	vmul.f32 $7.812500000e-03, v1  }
0x276: {  	v5 =	vadd.f32 v54, v41;
	v19 =	vadd.f32 v53, v49;
	v7 =	vmul.f32 v60, v60  }
0x277: {  	v25 =	vadd.f32 v0, v40;
	v1 =	vmul.f32 $7.812500000e-03, v63;
	v61 =	vmul.f32 v36, v36  }
0x278: {  	v27 =	vmul.f32 v39, v39;
	v24 =	vadd.f32 v48, v45;
	v20 =	vadd.f32 v55, v47  }
0x279: {  	v34 =	vmul.f32 v51, v51;
	v33 =	vadd.f32 v33, v7;
	v1 =	vsub.f32 v1, v61  }
0x27a: {  	v22 =	vmul.f32 v49, v49;
	v37 =	vadd.f32 v25, v24;
	v20 =	vadd.f32 v23, v20  }
0x27b: {  	v26 =	vmul.f32 v47, v47;
	v38 =	vadd.f32 v30, v33;
	v1 =	vadd.f32 $9.999999960e-13, v1  }
0x27c: {  	v6 =	vmul.f32 v45, v45;
	v10 =	vadd.f32 v4, v60;
	v13 =	vadd.f32 v51, v42  }
0x27d: {  	v9 =	vadd.f32 v57, v56;
	v2 =	vshra.s32 v1, $0x1;
	v3 =	vmul.f32 $5.000000000e-01, v1  }
0x27e: {  	[tilespmem:$0x1FBA0] =	vst v29;
	v29 =	vadd.f32 v5, v10;
	v10 =	vmul.f32 v55, v55;
	v2 =	vsub.s32 $0x5F3759DF, v2  }
0x27f: {  	v5 =	vmul.f32 v50, v50;
	v12 =	vadd.f32 v46, v52;
	v1 =	vmul.f32 v2, v3  }
0x280: {  	v9 =	vadd.f32 v19, v9;
	v62 =	vmul.f32 v46, v46;
	v10 =	vadd.f32 v10, v26  }
0x281: {  	v5 =	vadd.f32 v5, v27;
	v7 =	vadd.f32 v12, v13;
	v1 =	vmul.f32 v2, v1  }
0x282: {  	v63 =	vmul.f32 v56, v56;
	v12 =	vadd.f32 v34, v35;
	v34 =	vadd.f32 v62, v32  }
0x283: {  	v5 =	vadd.f32 v5, v10;
	v61 =	vmul.f32 v53, v53;
	v1 =	vsub.f32 $1.500000000e+00, v1  }
0x284: {  	v4 =	vmul.f32 v48, v48;
	v21 =	vadd.f32 v21, v63;
	v7 =	vadd.f32 v9, v7  }
0x285: {  	v63 =	vadd.f32 v34, v12;
	v19 =	vadd.f32 v61, v22;
	v35 =	vmul.f32 v2, v1  }
0x286: {  	v31 =	vmul.f32 v0, v0;
	v22 =	vadd.f32 v4, v6;
	v4 =	vadd.f32 v8, v29  }
0x287: {  	v33 =	vperm.xlane v7, v15;
	v61 =	vadd.f32 v14, v28;
	v2 =	vmul.f32 v35, v3  }
0x288: {  	v6 =	vadd.f32 v31, v11;
	v62 =	vperm.xlane v4, v15;
	v32 =	vadd.f32 v19, v21  }
0x289: {  	v7 =	vadd.f32 v7, v33;
	v8 =	vadd.f32 v61, v38;
	v2 =	vmul.f32 v2, v35  }
0x28a: {  	v19 =	vld [tilespmem:$0x1FFB0];
	v34 =	vadd.f32 v4, v62;
	v4 =	vadd.f32 v32, v63  }
0x28b: {  	v1 =	vadd.f32 v37, v20;
	v2 =	vsub.f32 $1.500000000e+00, v2  }
0x28c: {  	v61 =	vperm.xlane v7, v18;
	v38 =	vperm.xlane v4, v15;
	v3 =	vadd.f32 v6, v22  }
0x28d: {  	[tilespmem:$0x1FB30] =	vst v0;
	v6 =	vperm.xlane v1, v15;
	v0 =	vmul.f32 v2, v35  }
0x28e: {  	v63 =	vld [tilespmem:$0x1FF30];
	v37 =	vperm.xlane v8, v15;
	v3 =	vadd.f32 v3, v5;
	v5 =	vsub.f32 v59, v36  }
0x28f: {  	v1 =	vadd.f32 v1, v6;
	v59 =	vperm.xlane v34, v18;
	v35 =	vmul.f32 v0, v19  }
0x290: {  	v4 =	vadd.f32 v38, v4;
	v8 =	vadd.f32 v37, v8;
	v6 =	vperm.xlane v3, v15  }
0x291: {  	v62 =	vperm.xlane v1, v18;
	v2 =	vadd.f32 v34, v59;
	v5 =	vmul.f32 v35, v5  }
0x292: {  	v32 =	vperm.xlane v8, v18;
	v3 =	vadd.f32 v6, v3;
	v6 =	vadd.f32 v7, v61  }
0x293: {  	v7 =	vperm.xlane v4, v18;
	v1 =	vadd.f32 v1, v62;
	v5 =	vadd.f32 v5, v63  }
0x294: {  	s5 =	sadd.s32 $0x200, s5;
	v8 =	vadd.f32 v32, v8;
	v10 =	vperm.xlane v6, v16  }
0x295: {  	v4 =	vadd.f32 v7, v4;
	v7 =	vperm.xlane v1, v16;
	[tilespmem:s5+$0xF0] =	vst v5;
	v5 =	vperm.xlane v2, v16  }
0x296: {  	v33 =	vperm.xlane v3, v18;
	v6 =	vadd.f32 v6, v10  }
0x297: {  	v1 =	vadd.f32 v1, v7;
	v2 =	vadd.f32 v2, v5;
	v5 =	vperm.xlane v8, v16  }
0x298: {  	v3 =	vadd.f32 v33, v3;
	v34 =	vperm.xlane v4, v16;
	v10 =	vperm.xlane v6, v17  }
0x299: {  	v37 =	vperm.xlane v1, v17;
	v7 =	vperm.xlane v2, v17;
	v5 =	vadd.f32 v5, v8  }
0x29a: {  	v28 =	vld [tilespmem:$0x1FF40];
	v35 =	vperm.xlane v3, v16;
	v4 =	vadd.f32 v34, v4;
	v6 =	vadd.f32 v6, v10  }
0x29b: {  	v1 =	vadd.f32 v1, v37;
	v2 =	vadd.f32 v2, v7;
	v7 =	vperm.xlane v5, v17  }
0x29c: {  	v33 =	vld [tilespmem:$0x1FF50];
	v3 =	vadd.f32 v35, v3;
	v38 =	vperm.xlane v4, v17  }
0x29d: {  	v6 =	vmul.f32 $7.812500000e-03, v6;
	v1 =	vmul.f32 $7.812500000e-03, v1;
	v5 =	vadd.f32 v7, v5  }
0x29e: {  	v4 =	vadd.f32 v38, v4;
	v2 =	vmul.f32 $7.812500000e-03, v2;
	v7 =	vperm.xlane v3, v17  }
0x29f: {  	v59 =	vmul.f32 $7.812500000e-03, v5;
	v5 =	vmul.f32 v0, v28  }
0x2a0: {  	v4 =	vmul.f32 $7.812500000e-03, v4;
	v12 =	vmul.f32 v2, v2;
	v3 =	vadd.f32 v7, v3  }
0x2a1: {  	v7 =	vmul.f32 v6, v6;
	[tilespmem:$0x1FBB0] =	vst v5;
	v5 =	vmul.f32 v0, v33  }
0x2a2: {  	v13 =	vmul.f32 v1, v1;
	v3 =	vmul.f32 $7.812500000e-03, v3  }
0x2a3: {  	v8 =	vsub.f32 v59, v12;
	v4 =	vsub.f32 v4, v7;
	[tilespmem:$0x1FBC0] =	vst v5;
	v5 =	vld [tilespmem:$0x1FF60]  }
0x2a4: {  	v3 =	vsub.f32 v3, v13  }
0x2a5: {  	v7 =	vadd.f32 $9.999999960e-13, v8;
	v4 =	vadd.f32 $9.999999960e-13, v4  }
0x2a6: {  	v35 =	vld [tilespmem:$0x1FF70];
	v3 =	vadd.f32 $9.999999960e-13, v3  }
0x2a7: {  	v34 =	vshra.s32 v7, $0x1;
	v37 =	vshra.s32 v4, $0x1  }
0x2a8: {  	v10 =	vmul.f32 $5.000000000e-01, v4;
	v4 =	vshra.s32 v3, $0x1;
	v14 =	vmul.f32 v0, v5  }
0x2a9: {  	v8 =	vsub.s32 $0x5F3759DF, v34;
	v3 =	vmul.f32 $5.000000000e-01, v3;
	v34 =	vsub.s32 $0x5F3759DF, v4;
	v4 =	vld [tilespmem:$0x1FB10]  }
0x2aa: {  	[tilespmem:$0x1FBD0] =	vst v14;
	v14 =	vld [tilespmem:$0x1FF80]  }
0x2ab: {  	v15 =	vmul.f32 v0, v35;
	v9 =	vsub.s32 $0x5F3759DF, v37;
	v37 =	vmul.f32 v34, v3  }
0x2ac: {  	v7 =	vmul.f32 $5.000000000e-01, v7  }
0x2ad: {  	[tilespmem:$0x1FBE0] =	vst v15;
	v61 =	vsub.f32 v60, v2;
	v60 =	vld [tilespmem:$0x1FFA0];
	v15 =	vmul.f32 v34, v37  }
0x2ae: {  	v38 =	vmul.f32 v8, v7  }
0x2af: {  	v59 =	vsub.f32 v4, v2;
	v4 =	vld [tilespmem:$0x1FF90];
	v15 =	vsub.f32 $1.500000000e+00, v15;
	v32 =	vmul.f32 v0, v14  }
0x2b0: {  	v11 =	vmul.f32 v8, v38  }
0x2b1: {  	v13 =	vmul.f32 v34, v15;
	[tilespmem:$0x1FBF0] =	vst v32;
	v32 =	vmul.f32 v9, v10  }
0x2b2: {  	v62 =	vmul.f32 v0, v60;
	v38 =	vsub.f32 $1.500000000e+00, v11  }
0x2b3: {  	v3 =	vmul.f32 v13, v3;
	v12 =	vmul.f32 v9, v32  }
0x2b4: {  	v17 =	vsub.f32 v54, v2;
	v54 =	vld [tilespmem:$0x1FB20];
	v63 =	vmul.f32 v0, v4;
	v0 =	vmul.f32 v8, v38  }
0x2b5: {  	v16 =	vsub.f32 v41, v2;
	v3 =	vmul.f32 v3, v13;
	v41 =	vsub.f32 $1.500000000e+00, v12  }
0x2b6: {  	v21 =	vsub.f32 v56, v6;
	v7 =	vmul.f32 v0, v7  }
0x2b7: {  	v23 =	vsub.f32 v49, v6;
	v56 =	vld [tilespmem:$0x1FB40];
	v3 =	vsub.f32 $1.500000000e+00, v3;
	v9 =	vmul.f32 v9, v41  }
0x2b8: {  	v11 =	vsub.f32 v43, v2;
	v8 =	vsub.f32 v58, v2;
	v7 =	vmul.f32 v7, v0  }
0x2b9: {  	v12 =	vsub.f32 v54, v2;
	v3 =	vmul.f32 v3, v13;
	v10 =	vmul.f32 v9, v10  }
0x2ba: {  	v2 =	vsub.f32 v44, v2;
	v7 =	vsub.f32 $1.500000000e+00, v7  }
0x2bb: {  	v44 =	vsub.f32 v48, v1;
	v48 =	vmul.f32 v3, v28;
	v10 =	vmul.f32 v10, v9  }
0x2bc: {  	v34 =	vsub.f32 v56, v36;
	v49 =	vmul.f32 v3, v33;
	v0 =	vmul.f32 v7, v0  }
0x2bd: {  	v54 =	vmul.f32 v3, v4;
	v56 =	vmul.f32 v3, v60;
	v10 =	vsub.f32 $1.500000000e+00, v10  }
0x2be: {  	v13 =	vmul.f32 v0, v28;
	v24 =	vmul.f32 v0, v33  }
0x2bf: {  	v22 =	vsub.f32 v57, v6;
	v57 =	vld [tilespmem:$0x1FB50];
	v26 =	vmul.f32 v0, v5;
	v7 =	vmul.f32 v10, v9  }
0x2c0: {  	v32 =	vsub.f32 v45, v1;
	v27 =	vmul.f32 v0, v35;
	v59 =	vmul.f32 v24, v59;
	v24 =	vld [tilespmem:$0x1FF00]  }
0x2c1: {  	v31 =	vmul.f32 v0, v4;
	v10 =	vsub.f32 v55, v1;
	v55 =	vld [tilespmem:$0x1FB30];
	v41 =	vmul.f32 v7, v33  }
0x2c2: {  	v45 =	vsub.f32 v40, v1;
	v40 =	vmul.f32 v7, v5;
	v33 =	vmul.f32 v3, v5;
	v5 =	vld [tilespmem:$0x1FB70]  }
0x2c3: {  	v20 =	vsub.f32 v46, v6;
	v38 =	vmul.f32 v0, v60;
	v43 =	vmul.f32 v7, v4;
	v4 =	vld [tilespmem:$0x1FB80]  }
0x2c4: {  	v25 =	vsub.f32 v39, v1;
	v39 =	vmul.f32 v7, v28;
	v46 =	vmul.f32 v7, v60;
	v28 =	vld [tilespmem:$0x1FB60]  }
0x2c5: {  	v18 =	vsub.f32 v51, v6;
	v60 =	vmul.f32 v26, v16;
	v16 =	vmul.f32 v27, v17;
	v17 =	vld [tilespmem:$0x1FEC0]  }
0x2c6: {  	v29 =	vsub.f32 v50, v1;
	v58 =	vsub.f32 v52, v6;
	v26 =	vld [tilespmem:$0x1FF10]  }
0x2c7: {  	v9 =	vsub.f32 v47, v1;
	v27 =	vld [tilespmem:$0x1FF20];
	v1 =	vsub.f32 v55, v1  }
0x2c8: {  	v52 =	vsub.f32 v5, v36;
	v55 =	vsub.f32 v4, v36;
	v4 =	vld [tilespmem:$0x1FB90];
	v5 =	vmul.f32 v13, v61  }
0x2c9: {  	v15 =	vsub.f32 v42, v6;
	v51 =	vmul.f32 v3, v35;
	v30 =	vmul.f32 v0, v14;
	v61 =	vld [tilespmem:$0x1FEE0]  }
0x2ca: {  	v42 =	vmul.f32 v7, v35;
	v35 =	vmul.f32 v41, v18;
	v18 =	vld [tilespmem:$0x1FF30];
	v5 =	vadd.f32 v5, v17  }
0x2cb: {  	v6 =	vsub.f32 v53, v6;
	v53 =	vmul.f32 v3, v14;
	v0 =	vmul.f32 v0, v19;
	v17 =	vld [tilespmem:$0x1FED0]  }
0x2cc: {  	v12 =	vmul.f32 v30, v12;
	v37 =	vmul.f32 v7, v14;
	[tilespmem:s5+$0xFFFFFF00] =	vst v5;
	v5 =	vld [tilespmem:$0x1FEF0]  }
0x2cd: {  	v8 =	vmul.f32 v31, v8;
	v47 =	vsub.f32 v57, v36;
	v57 =	vsub.f32 v4, v36;
	v4 =	vld [tilespmem:$0x1FBA0]  }
0x2ce: {  	v0 =	vmul.f32 v0, v2;
	v2 =	vadd.f32 v60, v61;
	v61 =	vmul.f32 v37, v21;
	v21 =	vld [tilespmem:$0x1FED0]  }
0x2cf: {  	v60 =	vadd.f32 v12, v24;
	v37 =	vmul.f32 v54, v44;
	v44 =	vmul.f32 v56, v45;
	v56 =	vld [tilespmem:$0x1FBB0]  }
0x2d0: {  	v11 =	vmul.f32 v38, v11;
	v13 =	vadd.f32 v59, v17;
	v17 =	vmul.f32 v42, v20;
	v20 =	vld [tilespmem:$0x1FEC0]  }
0x2d1: {  	v38 =	vmul.f32 v51, v29;
	v7 =	vmul.f32 v7, v19;
	v8 =	vadd.f32 v8, v26;
	[tilespmem:s5+$0xFFFFFF40] =	vst v60;
	v60 =	vld [tilespmem:$0x1FBE0]  }
0x2d2: {  	v0 =	vadd.f32 v0, v18;
	v59 =	vadd.f32 v16, v5;
	v5 =	vmul.f32 v43, v22;
	v22 =	vld [tilespmem:$0x1FEE0]  }
0x2d3: {  	[tilespmem:s5+$0xFFFFFF50] =	vst v8;
	v16 =	vmul.f32 v40, v58;
	v40 =	vmul.f32 v46, v23;
	v23 =	vld [tilespmem:$0x1FEF0]  }
0x2d4: {  	v3 =	vmul.f32 v3, v19;
	v14 =	vmul.f32 v39, v15;
	[tilespmem:s5+$0xFFFFFF70] =	vst v0;
	v46 =	vadd.f32 v11, v27;
	v58 =	vld [tilespmem:$0x1FBC0]  }
0x2d5: {  	s12 =	sadd.s32 $0x4, s12;
	v41 =	vmul.f32 v48, v9;
	v39 =	vmul.f32 v49, v10;
	[tilespmem:s5+$0xFFFFFF30] =	vst v59;
	v59 =	vld [tilespmem:$0x1FBD0]  }
0x2d6: {  	p0 =	slt.u32 s12, $0xC4;
	v50 =	vsub.f32 v28, v36;
	v42 =	vmul.f32 v53, v32;
	[tilespmem:s5+$0xFFFFFF60] =	vst v46;
	v46 =	vadd.f32 v61, v24;
	v61 =	vld [tilespmem:$0x1FBF0]  }
.Ltmp3:
0x2d7: {  	[tilespmem:s5+$0xFFFFFF20] =	vst v2;
	v30 =	vmul.f32 v63, v57;
	v43 =	vmul.f32 v33, v25;
	v53 =	vadd.f32 v35, v21;
	(pc) =	sbr.rel @p0 .LBB2_5-.Ltmp3, $4  }
0x2d8: {  	[tilespmem:s5+$0xFFFFFF10] =	vst v13;
	v33 =	vmul.f32 v3, v1;
	v28 =	vsub.f32 v4, v36;
	v51 =	vadd.f32 v14, v20  }
0x2d9: {  	v36 =	vmul.f32 v7, v6;
	v45 =	vmul.f32 v56, v34;
	[tilespmem:s5+$0xFFFFFF90] =	vst v53;
	v54 =	vadd.f32 v16, v22  }
0x2da: {  	v29 =	vmul.f32 v60, v52;
	[tilespmem:s5+$0xFFFFFF80] =	vst v51;
	v34 =	vmul.f32 v58, v47  }
0x2db: {  	s14 =	sadd.s32 $0x200, s14;
	v47 =	vadd.f32 v17, v23;
	v31 =	vmul.f32 v59, v50;
	[tilespmem:s5+$0xFFFFFFA0] =	vst v54;
	v32 =	vmul.f32 v61, v55  }
0x2dc: {  	v16 =	vld [tilespmem:$0x1FFB0]  }
0x2dd: {  	v15 =	vld [tilespmem:$0x1FFA0]  }
0x2de: {  	v14 =	vld [tilespmem:$0x1FF90]  }
0x2df: {  	v10 =	vld [tilespmem:$0x1FF50]  }
0x2e0: {  	v9 =	vld [tilespmem:$0x1FF40]  }
0x2e1: {  	v8 =	vld [tilespmem:$0x1FFF0]  }
0x2e2: {  	v7 =	vld [tilespmem:$0x1FFE0]  }
0x2e3: {  	v6 =	vld [tilespmem:$0x1FFD0]  }
0x2e4: {  	v4 =	vld [tilespmem:$0x1FFC0];
	v0 =	vadd.f32 v5, v26;
	[tilespmem:s5+$0xFFFFFFC0] =	vst v46  }
0x2e5: {  	v1 =	vadd.f32 v40, v27;
	[tilespmem:s5+$0xFFFFFFB0] =	vst v47  }
0x2e6: {  	v2 =	vadd.f32 v36, v18;
	[tilespmem:s5+$0xFFFFFFD0] =	vst v0  }
0x2e7: {  	v50 =	vadd.f32 v41, v20;
	[tilespmem:s5+$0xFFFFFFE0] =	vst v1  }
0x2e8: {  	v51 =	vadd.f32 v39, v21;
	[tilespmem:s5+$0xFFFFFFF0] =	vst v2  }
0x2e9: {  	v52 =	vadd.f32 v43, v22;
	[tilespmem:s5+$0x0] =	vst v50  }
0x2ea: {  	v53 =	vadd.f32 v38, v23;
	[tilespmem:s5+$0x10] =	vst v51  }
0x2eb: {  	v54 =	vadd.f32 v42, v24;
	[tilespmem:s5+$0x20] =	vst v52  }
0x2ec: {  	v55 =	vadd.f32 v37, v26;
	[tilespmem:s5+$0x30] =	vst v53  }
0x2ed: {  	v56 =	vadd.f32 v44, v27;
	[tilespmem:s5+$0x40] =	vst v54  }
0x2ee: {  	v57 =	vadd.f32 v33, v18;
	[tilespmem:s5+$0x50] =	vst v55  }
0x2ef: {  	v58 =	vadd.f32 v45, v20;
	[tilespmem:s5+$0x60] =	vst v56  }
0x2f0: {  	v59 =	vadd.f32 v34, v21;
	[tilespmem:s5+$0x70] =	vst v57  }
0x2f1: {  	v61 =	vadd.f32 v29, v23;
	[tilespmem:s5+$0x80] =	vst v58  }
0x2f2: {  	v63 =	vadd.f32 v30, v26;
	[tilespmem:s5+$0x90] =	vst v59  }
0x2f3: {  	v62 =	vmul.f32 v62, v28;
	v60 =	vadd.f32 v31, v22;
	[tilespmem:s5+$0xB0] =	vst v61  }
.Ltmp4:
0x2f4: {  	s3 =	sadd.s32 s8, s3;
	v3 =	vadd.f32 v32, v24;
	[tilespmem:s5+$0xD0] =	vst v63;
	(pc) =	sbr.rel @p1 .LBB2_8-.Ltmp4, $4  }
0x2f5: {  	s3 =	smul.u32 $0xC80, s3;
	v0 =	vadd.f32 v62, v27;
	[tilespmem:s5+$0xA0] =	vst v60  }
0x2f6: {  	[tilespmem:s5+$0xC0] =	vst v3  }
0x2f7: {  	s3 =	sadd.s32 s6, s3;
	[tilespmem:s5+$0xE0] =	vst v0  }
0x2f8: {  	[hbm4b:s3+s7] =	stream.linear.scatter [tilespmem:s30], [sflag:$0x4], $0x6400, $0x38;
	[tilespmem:$0x1BA80] =	vst v63  }
0x2f9: {  	s3 =	smul.u32 $0x640, s2;
	_ =	sdelay $0x1  }
.Ltmp5:
0x2fa: {  	s3 =	sshra.s32 s3, $0x2;
	(pc) =	sbr.rel .LBB2_2-.Ltmp5, $4  }
0x2fb: {  	s5 =	sadd.s32 $0x258, s3  }
0x2fc: {  	[tilespmem:s24], [sflag:$0x2] =	stream.indirect.gather [hbm4b:s1+s19], $0x80, s5, s19, $0xb8;
	[tilespmem:$0x1BA80] =	vst v63  }
0x2fd: {  	s2 =	sadd.s32 $0x1, s2;
	v0 =	vmov v4;
	s3 =	sadd.s32 $0x2C0, s3  }
0x2fe: {  	v1 =	vmovc v6;
	v2 =	vmovc v7;
	v3 =	vmov v8;
	v7 =	vmov v9;
	v8 =	vmov v10;
	[tilespmem:s26], [sflag:$0x2] =	stream.indirect.gather [hbm4b:s1+s21], $0x80, s3, s21, $0xb8;
	[tilespmem:$0x1BA80] =	vst v63  }
.LBB2_9:
0x2ff: {  	_ =	sfence.sel $0x180000  }
0x300: {  	[bflag:$0x0] =	sbarrier.arrive $0xFFFF  }
0x301: {  	_ =	strace $0x90000047  }
0x302: {  	s0 =	stileid.u32;
	[bflag:$0x2] =	sbarrier.arrive $0xFFFF  }
0x303: {  	p0 =	sne.s32 s0, $0x0;
	s0 =	rddreg [dreg:$0x7]  }
0x304: {  	s0 =	sadd.s32 @!p0 $0x100000, s0  }
0x305: {  	[sflag:s0] =	ssyncadd.tile.s32 @!p0 $0x1;
	_ =	shalt  }
.Lfunc_end2:
_tile_overlayer_lowered:
.L_overlay_start_2:
0x306: {  	(tag) =	ssettag $0x2  }
0x307: {  	s0 =	rddreg [dreg:$0x0];
	s2 =	stileid.u32  }
0x308: {  	s1 =	rddreg [dreg:$0x1];
	p0 =	sne.s32 s2, $0x0  }
0x309: {  	s3 =	rddreg [dreg:$0x2];
	[bflag:$0x3] =	sbarrier.arrive $0xFFFF;
	s2 =	simm.s32 @!p0 $0x1C05  }
0x30a: {  	[timem:s3], [sflag:s2] =	dma.local @!p0 [hbm:s0], s1  }
0x30b: {  	s0 =	simm.s32 @!p0 $0x5  }
0x30c: {  	_ =	swait.ge @!p0 [sflag:s0], s1  }
0x30d: {  	s1 =	ssub.s32 @!p0 $0x0, s1;
	[sflag:s0] =	ssyncset.done @!p0 $0x0  }
0x30e: {  	[sflag:s0] =	ssyncadd.s32 @!p0 s1  }
0x30f: {  	[bflag:$0x3] =	sbarrier.arrive $0xFFFF  }
0x310: {  	_ =	shalt  }

</sc_bundles>
